<compile_context>
chip_gen: v7x
topology: tpu7x:2x2x1
jax: 0.10.2.dev20260603
libtpu: 0.0.44.dev20260713+nightly
codegen_flags: <defaults>
</compile_context>

<pallas_src>
import functools

import jax
import jax.numpy as jnp
from jax import lax
from jax.experimental import pallas as pl
from jax.experimental.pallas import tpu as pltpu
from jax.experimental.pallas import tpu_sc as plsc

NC = 2
NS = 16
NW = NC * NS

N = 10000
NP = 10240
E = 320000
D = 128
EC = E // NW
K = 80
NCHUNK = EC // K
IDXCH = 2000
ROWS_PER_TILE = NP // NS
BLK = 512
GRID = NP // BLK


def _wid():
  return lax.axis_index("s") * NC + lax.axis_index("c")


def _sc_degrees(src_hbm, dst_hbm, hs_out, hd_out, i0_v, i1_v, hs_v, hd_v,
                isem0, isem1):
  wid = _wid()
  zero16 = jnp.zeros((16,), jnp.float32)
  ones16 = jnp.ones((16,), jnp.float32)
  base = wid * EC
  njobs = EC // IDXCH

  def start_i(j, buf, sem):
    arr = [src_hbm, dst_hbm][j // njobs]
    pltpu.async_copy(arr.at[pl.ds(base + (j % njobs) * IDXCH, IDXCH)], buf,
                     sem)

  def wait_i(buf, sem):
    pltpu.make_async_copy(src_hbm.at[pl.ds(0, IDXCH)], buf, sem).wait()

  start_i(0, i0_v, isem0)

  def zloop(i, _):
    hs_v[pl.ds(i * 16, 16)] = zero16
    hd_v[pl.ds(i * 16, 16)] = zero16
    return 0
  lax.fori_loop(0, NP // 16, zloop, 0)

  bufs = [(i0_v, isem0), (i1_v, isem1)]
  for j in range(2 * njobs):
    buf, sem = bufs[j % 2]
    wait_i(buf, sem)
    if j + 1 < 2 * njobs:
      start_i(j + 1, *bufs[(j + 1) % 2])
    hist = [hs_v, hd_v][j // njobs]

    def inner(k, _):
      idx = buf[pl.ds(k * 16, 16)]
      plsc.addupdate_scatter(hist, [idx], ones16)
      return 0
    lax.fori_loop(0, IDXCH // 16, inner, 0)

  pltpu.sync_copy(hs_v, hs_out.at[wid])
  pltpu.sync_copy(hd_v, hd_out.at[wid])


def _sc_message(h_hbm, src_hbm, dst_hbm, out_hbm, sall_v, d0_v, d1_v, d2_v,
                rows0_v, rows1_v, rows2_v, agg_sh, gsem0, gsem1, gsem2,
                dsem0, dsem1, dsem2):
  cid = lax.axis_index("c")
  sid = lax.axis_index("s")
  wid = sid * NC + cid
  base = wid * EC
  zero16 = jnp.zeros((16,), jnp.float32)

  pltpu.sync_copy(src_hbm.at[pl.ds(base, EC)], sall_v)

  def start_d(c, buf, sem):
    pltpu.async_copy(dst_hbm.at[pl.ds(base + c * K, K)], buf, sem)

  def wait_d(buf, sem):
    pltpu.make_async_copy(dst_hbm.at[pl.ds(0, K)], buf, sem).wait()

  def start_g(c, buf, sem):
    pltpu.async_copy(h_hbm.at[sall_v.at[pl.ds(c * K, K)]], buf, sem)

  def wait_g(buf, sem):
    pltpu.make_async_copy(h_hbm.at[sall_v.at[pl.ds(0, K)]], buf, sem).wait()

  start_d(0, d0_v, dsem0)
  start_d(1, d1_v, dsem1)
  start_d(2, d2_v, dsem2)

  def zrow(i, _):
    def zlane(j, _):
      rows0_v[i, pl.ds(j * 16, 16)] = zero16
      return 0
    lax.fori_loop(0, D // 16, zlane, 0)
    return 0
  lax.fori_loop(0, K, zrow, 0)

  def zagg(i, _):
    pltpu.sync_copy(rows0_v, agg_sh.at[pl.ds(sid * ROWS_PER_TILE + i * K, K)])
    return 0
  lax.fori_loop(0, ROWS_PER_TILE // K, zagg, 0)

  plsc.subcore_barrier()

  start_g(0, rows0_v, gsem0)
  start_g(1, rows1_v, gsem1)

  def step(c, rw, gsw, rn, gsn, dbuf, dsem):
    wait_g(rw, gsw)
    start_g(c + 2, rn, gsn)
    wait_d(dbuf, dsem)
    pltpu.sync_copy(rw, agg_sh.at[dbuf], add=True)

    @pl.when(c + 3 < NCHUNK)
    def _():
      start_d(c + 3, dbuf, dsem)

  def body(i, _):
    c0 = 3 * i
    step(c0, rows0_v, gsem0, rows2_v, gsem2, d0_v, dsem0)
    step(c0 + 1, rows1_v, gsem1, rows0_v, gsem0, d1_v, dsem1)
    step(c0 + 2, rows2_v, gsem2, rows1_v, gsem1, d2_v, dsem2)
    return 0
  lax.fori_loop(0, (NCHUNK - 2) // 3, body, 0)

  wait_g(rows0_v, gsem0)
  wait_d(d0_v, dsem0)
  pltpu.sync_copy(rows0_v, agg_sh.at[d0_v], add=True)
  wait_g(rows1_v, gsem1)
  wait_d(d1_v, dsem1)
  pltpu.sync_copy(rows1_v, agg_sh.at[d1_v], add=True)

  plsc.subcore_barrier()

  pltpu.sync_copy(agg_sh.at[pl.ds(sid * ROWS_PER_TILE, ROWS_PER_TILE)],
                  out_hbm.at[cid, pl.ds(sid * ROWS_PER_TILE, ROWS_PER_TILE)])


_SC_PARAMS = pltpu.CompilerParams(needs_layout_passes=False)

_sc_degrees_call = pl.kernel(
    _sc_degrees,
    out_type=[
        jax.ShapeDtypeStruct((NW, NP), jnp.float32),
        jax.ShapeDtypeStruct((NW, NP), jnp.float32),
    ],
    mesh=plsc.VectorSubcoreMesh(core_axis_name="c", subcore_axis_name="s"),
    compiler_params=_SC_PARAMS,
    scratch_types=[
        pltpu.VMEM((IDXCH,), jnp.int32),
        pltpu.VMEM((IDXCH,), jnp.int32),
        pltpu.VMEM((NP,), jnp.float32),
        pltpu.VMEM((NP,), jnp.float32),
        pltpu.SemaphoreType.DMA,
        pltpu.SemaphoreType.DMA,
    ],
)

_sc_message_call = pl.kernel(
    _sc_message,
    out_type=jax.ShapeDtypeStruct((NC, NP, D), jnp.float32),
    mesh=plsc.VectorSubcoreMesh(core_axis_name="c", subcore_axis_name="s"),
    compiler_params=_SC_PARAMS,
    scratch_types=[
        pltpu.VMEM((EC,), jnp.int32),
        pltpu.VMEM((K,), jnp.int32),
        pltpu.VMEM((K,), jnp.int32),
        pltpu.VMEM((K,), jnp.int32),
        pltpu.VMEM((K, D), jnp.float32),
        pltpu.VMEM((K, D), jnp.float32),
        pltpu.VMEM((K, D), jnp.float32),
        pltpu.VMEM_SHARED((NP, D), jnp.float32),
        pltpu.SemaphoreType.DMA,
        pltpu.SemaphoreType.DMA,
        pltpu.SemaphoreType.DMA,
        pltpu.SemaphoreType.DMA,
        pltpu.SemaphoreType.DMA,
        pltpu.SemaphoreType.DMA,
    ],
)


def _norm_from_hist(hist_blk):
  deg = jnp.sum(hist_blk, axis=0)
  return lax.rsqrt(jnp.clip(deg, 1.0, None))


def _tc1_body(x_ref, hs_ref, w1_ref, o_ref):
  norm_src = _norm_from_hist(hs_ref[...])
  h = jnp.dot(x_ref[...], w1_ref[...], preferred_element_type=jnp.float32)
  o_ref[...] = h * norm_src[:, None]


def _tc2_body(p_ref, hd_ref, hs_ref, b1_ref, w2_ref, o_ref):
  agg = p_ref[0] + p_ref[1]
  norm_dst = _norm_from_hist(hd_ref[...])
  norm_src = _norm_from_hist(hs_ref[...])
  t = jnp.maximum(agg * norm_dst[:, None] + b1_ref[...], 0.0)
  h = jnp.dot(t, w2_ref[...], preferred_element_type=jnp.float32)
  o_ref[...] = h * norm_src[:, None]


def _tc3_body(p_ref, hd_ref, b2_ref, o_ref):
  agg = p_ref[0] + p_ref[1]
  norm_dst = _norm_from_hist(hd_ref[...])
  o_ref[...] = agg * norm_dst[:, None] + b2_ref[...]


_hist_spec = pl.BlockSpec((NW, BLK), lambda i: (0, i))
_row_spec = pl.BlockSpec((BLK, D), lambda i: (i, 0))
_p_spec = pl.BlockSpec((NC, BLK, D), lambda i: (0, i, 0))
_w_spec = pl.BlockSpec((D, D), lambda i: (0, 0))
_b_spec = pl.BlockSpec((1, D), lambda i: (0, 0))

_tc1_call = pl.pallas_call(
    _tc1_body,
    grid=(GRID,),
    in_specs=[_row_spec, _hist_spec, _w_spec],
    out_specs=_row_spec,
    out_shape=jax.ShapeDtypeStruct((N, D), jnp.float32),
)

_tc2_call = pl.pallas_call(
    _tc2_body,
    grid=(GRID,),
    in_specs=[_p_spec, _hist_spec, _hist_spec, _b_spec, _w_spec],
    out_specs=_row_spec,
    out_shape=jax.ShapeDtypeStruct((N, D), jnp.float32),
)

_tc3_call = pl.pallas_call(
    _tc3_body,
    grid=(GRID,),
    in_specs=[_p_spec, _hist_spec, _b_spec],
    out_specs=_row_spec,
    out_shape=jax.ShapeDtypeStruct((N, D), jnp.float32),
)


@jax.jit
def _run(x, edge_index, W1, b1, W2, b2):
  src = edge_index[0]
  dst = edge_index[1]
  b1r = b1.reshape(1, D)
  b2r = b2.reshape(1, D)

  hs, hd = _sc_degrees_call(src, dst)
  h1 = _tc1_call(x, hs, W1)
  p1 = _sc_message_call(h1, src, dst)
  h2 = _tc2_call(p1, hd, hs, b1r, W2)
  p2 = _sc_message_call(h2, src, dst)
  return _tc3_call(p2, hd, b2r)


def kernel(x, edge_index, W1, b1, W2, b2):
  return _run(x, edge_index, W1, b1, W2, b2)

# --- scband reference (transcript-rebuilt; emitter-appended) ---
"""Pipeline reference for scband-gcn3-16552803959363 (READ-ONLY COPY).

The authoritative reference and input builder live on the scoring server;
editing this copy changes nothing except your own understanding.
"""

import jax, jax.numpy as jnp
import numpy as np

N = 10000
E = 320000
D_IN = 128
D_H = 128
D_OUT = 128


def setup_inputs(seed: int = 0) -> dict:
    key = jax.random.key(seed)
    k1, k2, k3, k4, k5, k6 = jax.random.split(key, 6)
    x = jax.random.normal(k1, (N, D_IN), dtype=jnp.float32)
    edge_index = jax.random.randint(k2, (2, E), 0, N).astype(jnp.int32)
    # GraphConv weights (glorot-ish init) and biases
    W1 = jax.random.normal(k3, (D_IN, D_H), dtype=jnp.float32) * (1.0 / np.sqrt(D_IN))
    b1 = jnp.zeros((D_H,), dtype=jnp.float32)
    W2 = jax.random.normal(k4, (D_H, D_OUT), dtype=jnp.float32) * (1.0 / np.sqrt(D_H))
    b2 = jnp.zeros((D_OUT,), dtype=jnp.float32)
    return {"x": x, "edge_index": edge_index, "W1": W1, "b1": b1, "W2": W2, "b2": b2}


def _gcn_layer(x, src, dst, W, b):
    # DGL GraphConv with norm='both': h = D_dst^{-1/2} A D_src^{-1/2} (x W) + b
    ones = jnp.ones((src.shape[0],), dtype=jnp.float32)
    deg_out = jax.ops.segment_sum(ones, src, num_segments=N)
    deg_in = jax.ops.segment_sum(ones, dst, num_segments=N)
    norm_src = jax.lax.rsqrt(jnp.clip(deg_out, 1.0, None))
    norm_dst = jax.lax.rsqrt(jnp.clip(deg_in, 1.0, None))
    h = x @ W
    h = h * norm_src[:, None]
    m = jnp.take(h, src, axis=0)
    agg = jax.ops.segment_sum(m, dst, num_segments=N)
    return agg * norm_dst[:, None] + b


def reference(x, edge_index, W1, b1, W2, b2):
    src = edge_index[0]
    dst = edge_index[1]
    h = _gcn_layer(x, src, dst, W1, b1)
    h = jax.nn.relu(h)
    out = _gcn_layer(h, src, dst, W2, b2)
    return out

if __name__ == "__main__":
    import jax
    _d = setup_inputs()
    print(jax.jit(kernel)(*tuple(_d.values())))

</pallas_src>

<mosaic_0001>
#map = affine_map<(d0, d1) -> (0)>
#map1 = affine_map<(d0, d1) -> (0, 0)>
module attributes {stable_mosaic.version = 14 : i64} {
  func.func @_sc_degrees(%arg0: i32, %arg1: i32, %arg2: memref<320000xi32, #tpu.memory_space<hbm>>, %arg3: memref<320000xi32, #tpu.memory_space<hbm>>, %arg4: memref<32x10240xf32, #tpu.memory_space<hbm>>, %arg5: memref<32x10240xf32, #tpu.memory_space<hbm>>, %arg6: memref<2000xi32, #tpu.memory_space<vmem>>, %arg7: memref<2000xi32, #tpu.memory_space<vmem>>, %arg8: memref<10240xf32, #tpu.memory_space<vmem>>, %arg9: memref<10240xf32, #tpu.memory_space<vmem>>, %arg10: memref<!tpu.dma_semaphore, #tpu.memory_space<semaphore_mem>>, %arg11: memref<!tpu.dma_semaphore, #tpu.memory_space<semaphore_mem>>) attributes {dimension_semantics = [#tpu.dimension_semantics<core_parallel>, #tpu.dimension_semantics<subcore_parallel>], iteration_bounds = array<i64: 2, 16>, scalar_prefetch = 0 : i64, scratch_operands = 6 : i64, tpu.core_type = #tpu.core_type<sc_vector_subcore>, window_params = [{transform_indices = #map}, {transform_indices = #map}, {transform_indices = #map1}, {transform_indices = #map1}]} {
    %mul3A = arith.constant 2 : i32
    %mul3A_0 = arith.muli %arg1, %mul3A : i32
    %add3A = arith.addi %mul3A_0, %arg0 : i32
    %broadcast_in_dim3A = arith.constant 0.000000e+00 : f32
    %broadcast_in_dim3A_1 = vector.broadcast %broadcast_in_dim3A : f32 to vector<16xf32>
    %broadcast_in_dim3A_2 = arith.constant 1.000000e+00 : f32
    %broadcast_in_dim3A_3 = vector.broadcast %broadcast_in_dim3A_2 : f32 to vector<16xf32>
    %mul3A_4 = arith.constant 10000 : i32
    %mul3A_5 = arith.muli %add3A, %mul3A_4 : i32
    %add3A_6 = arith.constant 0 : i32
    %add3A_7 = arith.addi %mul3A_5, %add3A_6 : i32
    %dma_start3A = tpu.memref_slice %arg2[%add3A_7] : memref<320000xi32, #tpu.memory_space<hbm>> -> memref<2000xi32, #tpu.memory_space<hbm>>
    %dma_start3A_8 = tpu.memref_slice %arg2[%add3A_7] : memref<320000xi32, #tpu.memory_space<hbm>> -> memref<2000xi32, #tpu.memory_space<hbm>>
    tpu.enqueue_dma source(%dma_start3A_8 : memref<2000xi32, #tpu.memory_space<hbm>>) target(%arg6 : memref<2000xi32, #tpu.memory_space<vmem>>) target_semaphore(%arg10 : memref<!tpu.dma_semaphore, #tpu.memory_space<semaphore_mem>>)
    %scan3A = arith.constant 0 : i32
    %scan3A_9 = arith.constant 0 : i32
    %scan3A_10 = arith.constant 640 : i32
    %scan3A_11 = arith.addi %scan3A_9, %scan3A_10 : i32
    %scan3A_12 = arith.constant 1 : i32
    %scan3A_13 = scf.for %scan3A_160 = %scan3A_9 to %scan3A_11 step %scan3A_12 iter_args(%scan3A_161 = %scan3A) -> (i32)  : i32 {
      %mul3A_162 = arith.constant 16 : i32
      %mul3A_163 = arith.muli %scan3A_160, %mul3A_162 : i32
      %swap3A = arith.index_cast %mul3A_163 : i32 to index
      %swap3A_164 = tpu.vector_load %arg8[%swap3A] {strides = array<i32>} : memref<10240xf32, #tpu.memory_space<vmem>>, vector<16xf32>,
      tpu.vector_store %arg8[%swap3A], %broadcast_in_dim3A_1 {strides = array<i32>} : memref<10240xf32, #tpu.memory_space<vmem>>, vector<16xf32>,
      %mul3A_165 = arith.constant 16 : i32
      %mul3A_166 = arith.muli %scan3A_160, %mul3A_165 : i32
      %swap3A_167 = arith.index_cast %mul3A_166 : i32 to index
      %swap3A_168 = tpu.vector_load %arg9[%swap3A_167] {strides = array<i32>} : memref<10240xf32, #tpu.memory_space<vmem>>, vector<16xf32>,
      tpu.vector_store %arg9[%swap3A_167], %broadcast_in_dim3A_1 {strides = array<i32>} : memref<10240xf32, #tpu.memory_space<vmem>>, vector<16xf32>,
      %scan3A_169 = arith.constant 0 : i32
      scf.yield %scan3A_169 : i32
    }
    %scan3A_14 = arith.constant 640 : i32
    %dma_wait3A = arith.constant 0 : i32
    %dma_wait3A_15 = tpu.memref_slice %arg2[%dma_wait3A] : memref<320000xi32, #tpu.memory_space<hbm>> -> memref<2000xi32, #tpu.memory_space<hbm>>
    %dma_wait3A_16 = arith.constant 0 : i32
    %dma_wait3A_17 = tpu.memref_slice %arg2[%dma_wait3A_16] : memref<320000xi32, #tpu.memory_space<hbm>> -> memref<2000xi32, #tpu.memory_space<hbm>>
    tpu.wait_dma2 semaphore(%arg10 : memref<!tpu.dma_semaphore, #tpu.memory_space<semaphore_mem>>) src(%dma_wait3A_17 : memref<2000xi32, #tpu.memory_space<hbm>>) dst(%arg6 : memref<2000xi32, #tpu.memory_space<vmem>>)
    %add3A_18 = arith.constant 2000 : i32
    %add3A_19 = arith.addi %mul3A_5, %add3A_18 : i32
    %dma_start3A_20 = tpu.memref_slice %arg2[%add3A_19] : memref<320000xi32, #tpu.memory_space<hbm>> -> memref<2000xi32, #tpu.memory_space<hbm>>
    %dma_start3A_21 = tpu.memref_slice %arg2[%add3A_19] : memref<320000xi32, #tpu.memory_space<hbm>> -> memref<2000xi32, #tpu.memory_space<hbm>>
    tpu.enqueue_dma source(%dma_start3A_21 : memref<2000xi32, #tpu.memory_space<hbm>>) target(%arg7 : memref<2000xi32, #tpu.memory_space<vmem>>) target_semaphore(%arg11 : memref<!tpu.dma_semaphore, #tpu.memory_space<semaphore_mem>>)
    %scan3A_22 = arith.constant 0 : i32
    %scan3A_23 = arith.constant 0 : i32
    %scan3A_24 = arith.constant 125 : i32
    %scan3A_25 = arith.addi %scan3A_23, %scan3A_24 : i32
    %scan3A_26 = arith.constant 1 : i32
    %scan3A_27 = scf.for %scan3A_160 = %scan3A_23 to %scan3A_25 step %scan3A_26 iter_args(%scan3A_161 = %scan3A_22) -> (i32)  : i32 {
      %mul3A_162 = arith.constant 16 : i32
      %mul3A_163 = arith.muli %scan3A_160, %mul3A_162 : i32
      %get3A = arith.index_cast %mul3A_163 : i32 to index
      %get3A_164 = tpu.vector_load %arg6[%get3A] {strides = array<i32>} : memref<2000xi32, #tpu.memory_space<vmem>>, vector<16xi32>,
      tpu.vector_store_idx %arg8[%get3A_164], %broadcast_in_dim3A_3 {add = true} : memref<10240xf32, #tpu.memory_space<vmem>>[vector<16xi32>], vector<16xf32>,
      %scan3A_165 = arith.constant 0 : i32
      scf.yield %scan3A_165 : i32
    }
    %scan3A_28 = arith.constant 125 : i32
    %dma_wait3A_29 = arith.constant 0 : i32
    %dma_wait3A_30 = tpu.memref_slice %arg2[%dma_wait3A_29] : memref<320000xi32, #tpu.memory_space<hbm>> -> memref<2000xi32, #tpu.memory_space<hbm>>
    %dma_wait3A_31 = arith.constant 0 : i32
    %dma_wait3A_32 = tpu.memref_slice %arg2[%dma_wait3A_31] : memref<320000xi32, #tpu.memory_space<hbm>> -> memref<2000xi32, #tpu.memory_space<hbm>>
    tpu.wait_dma2 semaphore(%arg11 : memref<!tpu.dma_semaphore, #tpu.memory_space<semaphore_mem>>) src(%dma_wait3A_32 : memref<2000xi32, #tpu.memory_space<hbm>>) dst(%arg7 : memref<2000xi32, #tpu.memory_space<vmem>>)
    %add3A_33 = arith.constant 4000 : i32
    %add3A_34 = arith.addi %mul3A_5, %add3A_33 : i32
    %dma_start3A_35 = tpu.memref_slice %arg2[%add3A_34] : memref<320000xi32, #tpu.memory_space<hbm>> -> memref<2000xi32, #tpu.memory_space<hbm>>
    %dma_start3A_36 = tpu.memref_slice %arg2[%add3A_34] : memref<320000xi32, #tpu.memory_space<hbm>> -> memref<2000xi32, #tpu.memory_space<hbm>>
    tpu.enqueue_dma source(%dma_start3A_36 : memref<2000xi32, #tpu.memory_space<hbm>>) target(%arg6 : memref<2000xi32, #tpu.memory_space<vmem>>) target_semaphore(%arg10 : memref<!tpu.dma_semaphore, #tpu.memory_space<semaphore_mem>>)
    %scan3A_37 = arith.constant 0 : i32
    %scan3A_38 = arith.constant 0 : i32
    %scan3A_39 = arith.constant 125 : i32
    %scan3A_40 = arith.addi %scan3A_38, %scan3A_39 : i32
    %scan3A_41 = arith.constant 1 : i32
    %scan3A_42 = scf.for %scan3A_160 = %scan3A_38 to %scan3A_40 step %scan3A_41 iter_args(%scan3A_161 = %scan3A_37) -> (i32)  : i32 {
      %mul3A_162 = arith.constant 16 : i32
      %mul3A_163 = arith.muli %scan3A_160, %mul3A_162 : i32
      %get3A = arith.index_cast %mul3A_163 : i32 to index
      %get3A_164 = tpu.vector_load %arg7[%get3A] {strides = array<i32>} : memref<2000xi32, #tpu.memory_space<vmem>>, vector<16xi32>,
      tpu.vector_store_idx %arg8[%get3A_164], %broadcast_in_dim3A_3 {add = true} : memref<10240xf32, #tpu.memory_space<vmem>>[vector<16xi32>], vector<16xf32>,
      %scan3A_165 = arith.constant 0 : i32
      scf.yield %scan3A_165 : i32
    }
    %scan3A_43 = arith.constant 125 : i32
    %dma_wait3A_44 = arith.constant 0 : i32
    %dma_wait3A_45 = tpu.memref_slice %arg2[%dma_wait3A_44] : memref<320000xi32, #tpu.memory_space<hbm>> -> memref<2000xi32, #tpu.memory_space<hbm>>
    %dma_wait3A_46 = arith.constant 0 : i32
    %dma_wait3A_47 = tpu.memref_slice %arg2[%dma_wait3A_46] : memref<320000xi32, #tpu.memory_space<hbm>> -> memref<2000xi32, #tpu.memory_space<hbm>>
    tpu.wait_dma2 semaphore(%arg10 : memref<!tpu.dma_semaphore, #tpu.memory_space<semaphore_mem>>) src(%dma_wait3A_47 : memref<2000xi32, #tpu.memory_space<hbm>>) dst(%arg6 : memref<2000xi32, #tpu.memory_space<vmem>>)
    %add3A_48 = arith.constant 6000 : i32
    %add3A_49 = arith.addi %mul3A_5, %add3A_48 : i32
    %dma_start3A_50 = tpu.memref_slice %arg2[%add3A_49] : memref<320000xi32, #tpu.memory_space<hbm>> -> memref<2000xi32, #tpu.memory_space<hbm>>
    %dma_start3A_51 = tpu.memref_slice %arg2[%add3A_49] : memref<320000xi32, #tpu.memory_space<hbm>> -> memref<2000xi32, #tpu.memory_space<hbm>>
    tpu.enqueue_dma source(%dma_start3A_51 : memref<2000xi32, #tpu.memory_space<hbm>>) target(%arg7 : memref<2000xi32, #tpu.memory_space<vmem>>) target_semaphore(%arg11 : memref<!tpu.dma_semaphore, #tpu.memory_space<semaphore_mem>>)
    %scan3A_52 = arith.constant 0 : i32
    %scan3A_53 = arith.constant 0 : i32
    %scan3A_54 = arith.constant 125 : i32
    %scan3A_55 = arith.addi %scan3A_53, %scan3A_54 : i32
    %scan3A_56 = arith.constant 1 : i32
    %scan3A_57 = scf.for %scan3A_160 = %scan3A_53 to %scan3A_55 step %scan3A_56 iter_args(%scan3A_161 = %scan3A_52) -> (i32)  : i32 {
      %mul3A_162 = arith.constant 16 : i32
      %mul3A_163 = arith.muli %scan3A_160, %mul3A_162 : i32
      %get3A = arith.index_cast %mul3A_163 : i32 to index
      %get3A_164 = tpu.vector_load %arg6[%get3A] {strides = array<i32>} : memref<2000xi32, #tpu.memory_space<vmem>>, vector<16xi32>,
      tpu.vector_store_idx %arg8[%get3A_164], %broadcast_in_dim3A_3 {add = true} : memref<10240xf32, #tpu.memory_space<vmem>>[vector<16xi32>], vector<16xf32>,
      %scan3A_165 = arith.constant 0 : i32
      scf.yield %scan3A_165 : i32
    }
    %scan3A_58 = arith.constant 125 : i32
    %dma_wait3A_59 = arith.constant 0 : i32
    %dma_wait3A_60 = tpu.memref_slice %arg2[%dma_wait3A_59] : memref<320000xi32, #tpu.memory_space<hbm>> -> memref<2000xi32, #tpu.memory_space<hbm>>
    %dma_wait3A_61 = arith.constant 0 : i32
    %dma_wait3A_62 = tpu.memref_slice %arg2[%dma_wait3A_61] : memref<320000xi32, #tpu.memory_space<hbm>> -> memref<2000xi32, #tpu.memory_space<hbm>>
    tpu.wait_dma2 semaphore(%arg11 : memref<!tpu.dma_semaphore, #tpu.memory_space<semaphore_mem>>) src(%dma_wait3A_62 : memref<2000xi32, #tpu.memory_space<hbm>>) dst(%arg7 : memref<2000xi32, #tpu.memory_space<vmem>>)
    %add3A_63 = arith.constant 8000 : i32
    %add3A_64 = arith.addi %mul3A_5, %add3A_63 : i32
    %dma_start3A_65 = tpu.memref_slice %arg2[%add3A_64] : memref<320000xi32, #tpu.memory_space<hbm>> -> memref<2000xi32, #tpu.memory_space<hbm>>
    %dma_start3A_66 = tpu.memref_slice %arg2[%add3A_64] : memref<320000xi32, #tpu.memory_space<hbm>> -> memref<2000xi32, #tpu.memory_space<hbm>>
    tpu.enqueue_dma source(%dma_start3A_66 : memref<2000xi32, #tpu.memory_space<hbm>>) target(%arg6 : memref<2000xi32, #tpu.memory_space<vmem>>) target_semaphore(%arg10 : memref<!tpu.dma_semaphore, #tpu.memory_space<semaphore_mem>>)
    %scan3A_67 = arith.constant 0 : i32
    %scan3A_68 = arith.constant 0 : i32
    %scan3A_69 = arith.constant 125 : i32
    %scan3A_70 = arith.addi %scan3A_68, %scan3A_69 : i32
    %scan3A_71 = arith.constant 1 : i32
    %scan3A_72 = scf.for %scan3A_160 = %scan3A_68 to %scan3A_70 step %scan3A_71 iter_args(%scan3A_161 = %scan3A_67) -> (i32)  : i32 {
      %mul3A_162 = arith.constant 16 : i32
      %mul3A_163 = arith.muli %scan3A_160, %mul3A_162 : i32
      %get3A = arith.index_cast %mul3A_163 : i32 to index
      %get3A_164 = tpu.vector_load %arg7[%get3A] {strides = array<i32>} : memref<2000xi32, #tpu.memory_space<vmem>>, vector<16xi32>,
      tpu.vector_store_idx %arg8[%get3A_164], %broadcast_in_dim3A_3 {add = true} : memref<10240xf32, #tpu.memory_space<vmem>>[vector<16xi32>], vector<16xf32>,
      %scan3A_165 = arith.constant 0 : i32
      scf.yield %scan3A_165 : i32
    }
    %scan3A_73 = arith.constant 125 : i32
    %dma_wait3A_74 = arith.constant 0 : i32
    %dma_wait3A_75 = tpu.memref_slice %arg2[%dma_wait3A_74] : memref<320000xi32, #tpu.memory_space<hbm>> -> memref<2000xi32, #tpu.memory_space<hbm>>
    %dma_wait3A_76 = arith.constant 0 : i32
    %dma_wait3A_77 = tpu.memref_slice %arg2[%dma_wait3A_76] : memref<320000xi32, #tpu.memory_space<hbm>> -> memref<2000xi32, #tpu.memory_space<hbm>>
    tpu.wait_dma2 semaphore(%arg10 : memref<!tpu.dma_semaphore, #tpu.memory_space<semaphore_mem>>) src(%dma_wait3A_77 : memref<2000xi32, #tpu.memory_space<hbm>>) dst(%arg6 : memref<2000xi32, #tpu.memory_space<vmem>>)
    %add3A_78 = arith.constant 0 : i32
    %add3A_79 = arith.addi %mul3A_5, %add3A_78 : i32
    %dma_start3A_80 = tpu.memref_slice %arg3[%add3A_79] : memref<320000xi32, #tpu.memory_space<hbm>> -> memref<2000xi32, #tpu.memory_space<hbm>>
    %dma_start3A_81 = tpu.memref_slice %arg3[%add3A_79] : memref<320000xi32, #tpu.memory_space<hbm>> -> memref<2000xi32, #tpu.memory_space<hbm>>
    tpu.enqueue_dma source(%dma_start3A_81 : memref<2000xi32, #tpu.memory_space<hbm>>) target(%arg7 : memref<2000xi32, #tpu.memory_space<vmem>>) target_semaphore(%arg11 : memref<!tpu.dma_semaphore, #tpu.memory_space<semaphore_mem>>)
    %scan3A_82 = arith.constant 0 : i32
    %scan3A_83 = arith.constant 0 : i32
    %scan3A_84 = arith.constant 125 : i32
    %scan3A_85 = arith.addi %scan3A_83, %scan3A_84 : i32
    %scan3A_86 = arith.constant 1 : i32
    %scan3A_87 = scf.for %scan3A_160 = %scan3A_83 to %scan3A_85 step %scan3A_86 iter_args(%scan3A_161 = %scan3A_82) -> (i32)  : i32 {
      %mul3A_162 = arith.constant 16 : i32
      %mul3A_163 = arith.muli %scan3A_160, %mul3A_162 : i32
      %get3A = arith.index_cast %mul3A_163 : i32 to index
      %get3A_164 = tpu.vector_load %arg6[%get3A] {strides = array<i32>} : memref<2000xi32, #tpu.memory_space<vmem>>, vector<16xi32>,
      tpu.vector_store_idx %arg8[%get3A_164], %broadcast_in_dim3A_3 {add = true} : memref<10240xf32, #tpu.memory_space<vmem>>[vector<16xi32>], vector<16xf32>,
      %scan3A_165 = arith.constant 0 : i32
      scf.yield %scan3A_165 : i32
    }
    %scan3A_88 = arith.constant 125 : i32
    %dma_wait3A_89 = arith.constant 0 : i32
    %dma_wait3A_90 = tpu.memref_slice %arg2[%dma_wait3A_89] : memref<320000xi32, #tpu.memory_space<hbm>> -> memref<2000xi32, #tpu.memory_space<hbm>>
    %dma_wait3A_91 = arith.constant 0 : i32
    %dma_wait3A_92 = tpu.memref_slice %arg2[%dma_wait3A_91] : memref<320000xi32, #tpu.memory_space<hbm>> -> memref<2000xi32, #tpu.memory_space<hbm>>
    tpu.wait_dma2 semaphore(%arg11 : memref<!tpu.dma_semaphore, #tpu.memory_space<semaphore_mem>>) src(%dma_wait3A_92 : memref<2000xi32, #tpu.memory_space<hbm>>) dst(%arg7 : memref<2000xi32, #tpu.memory_space<vmem>>)
    %add3A_93 = arith.constant 2000 : i32
    %add3A_94 = arith.addi %mul3A_5, %add3A_93 : i32
    %dma_start3A_95 = tpu.memref_slice %arg3[%add3A_94] : memref<320000xi32, #tpu.memory_space<hbm>> -> memref<2000xi32, #tpu.memory_space<hbm>>
    %dma_start3A_96 = tpu.memref_slice %arg3[%add3A_94] : memref<320000xi32, #tpu.memory_space<hbm>> -> memref<2000xi32, #tpu.memory_space<hbm>>
    tpu.enqueue_dma source(%dma_start3A_96 : memref<2000xi32, #tpu.memory_space<hbm>>) target(%arg6 : memref<2000xi32, #tpu.memory_space<vmem>>) target_semaphore(%arg10 : memref<!tpu.dma_semaphore, #tpu.memory_space<semaphore_mem>>)
    %scan3A_97 = arith.constant 0 : i32
    %scan3A_98 = arith.constant 0 : i32
    %scan3A_99 = arith.constant 125 : i32
    %scan3A_100 = arith.addi %scan3A_98, %scan3A_99 : i32
    %scan3A_101 = arith.constant 1 : i32
    %scan3A_102 = scf.for %scan3A_160 = %scan3A_98 to %scan3A_100 step %scan3A_101 iter_args(%scan3A_161 = %scan3A_97) -> (i32)  : i32 {
      %mul3A_162 = arith.constant 16 : i32
      %mul3A_163 = arith.muli %scan3A_160, %mul3A_162 : i32
      %get3A = arith.index_cast %mul3A_163 : i32 to index
      %get3A_164 = tpu.vector_load %arg7[%get3A] {strides = array<i32>} : memref<2000xi32, #tpu.memory_space<vmem>>, vector<16xi32>,
      tpu.vector_store_idx %arg9[%get3A_164], %broadcast_in_dim3A_3 {add = true} : memref<10240xf32, #tpu.memory_space<vmem>>[vector<16xi32>], vector<16xf32>,
      %scan3A_165 = arith.constant 0 : i32
      scf.yield %scan3A_165 : i32
    }
    %scan3A_103 = arith.constant 125 : i32
    %dma_wait3A_104 = arith.constant 0 : i32
    %dma_wait3A_105 = tpu.memref_slice %arg2[%dma_wait3A_104] : memref<320000xi32, #tpu.memory_space<hbm>> -> memref<2000xi32, #tpu.memory_space<hbm>>
    %dma_wait3A_106 = arith.constant 0 : i32
    %dma_wait3A_107 = tpu.memref_slice %arg2[%dma_wait3A_106] : memref<320000xi32, #tpu.memory_space<hbm>> -> memref<2000xi32, #tpu.memory_space<hbm>>
    tpu.wait_dma2 semaphore(%arg10 : memref<!tpu.dma_semaphore, #tpu.memory_space<semaphore_mem>>) src(%dma_wait3A_107 : memref<2000xi32, #tpu.memory_space<hbm>>) dst(%arg6 : memref<2000xi32, #tpu.memory_space<vmem>>)
    %add3A_108 = arith.constant 4000 : i32
    %add3A_109 = arith.addi %mul3A_5, %add3A_108 : i32
    %dma_start3A_110 = tpu.memref_slice %arg3[%add3A_109] : memref<320000xi32, #tpu.memory_space<hbm>> -> memref<2000xi32, #tpu.memory_space<hbm>>
    %dma_start3A_111 = tpu.memref_slice %arg3[%add3A_109] : memref<320000xi32, #tpu.memory_space<hbm>> -> memref<2000xi32, #tpu.memory_space<hbm>>
    tpu.enqueue_dma source(%dma_start3A_111 : memref<2000xi32, #tpu.memory_space<hbm>>) target(%arg7 : memref<2000xi32, #tpu.memory_space<vmem>>) target_semaphore(%arg11 : memref<!tpu.dma_semaphore, #tpu.memory_space<semaphore_mem>>)
    %scan3A_112 = arith.constant 0 : i32
    %scan3A_113 = arith.constant 0 : i32
    %scan3A_114 = arith.constant 125 : i32
    %scan3A_115 = arith.addi %scan3A_113, %scan3A_114 : i32
    %scan3A_116 = arith.constant 1 : i32
    %scan3A_117 = scf.for %scan3A_160 = %scan3A_113 to %scan3A_115 step %scan3A_116 iter_args(%scan3A_161 = %scan3A_112) -> (i32)  : i32 {
      %mul3A_162 = arith.constant 16 : i32
      %mul3A_163 = arith.muli %scan3A_160, %mul3A_162 : i32
      %get3A = arith.index_cast %mul3A_163 : i32 to index
      %get3A_164 = tpu.vector_load %arg6[%get3A] {strides = array<i32>} : memref<2000xi32, #tpu.memory_space<vmem>>, vector<16xi32>,
      tpu.vector_store_idx %arg9[%get3A_164], %broadcast_in_dim3A_3 {add = true} : memref<10240xf32, #tpu.memory_space<vmem>>[vector<16xi32>], vector<16xf32>,
      %scan3A_165 = arith.constant 0 : i32
      scf.yield %scan3A_165 : i32
    }
    %scan3A_118 = arith.constant 125 : i32
    %dma_wait3A_119 = arith.constant 0 : i32
    %dma_wait3A_120 = tpu.memref_slice %arg2[%dma_wait3A_119] : memref<320000xi32, #tpu.memory_space<hbm>> -> memref<2000xi32, #tpu.memory_space<hbm>>
    %dma_wait3A_121 = arith.constant 0 : i32
    %dma_wait3A_122 = tpu.memref_slice %arg2[%dma_wait3A_121] : memref<320000xi32, #tpu.memory_space<hbm>> -> memref<2000xi32, #tpu.memory_space<hbm>>
    tpu.wait_dma2 semaphore(%arg11 : memref<!tpu.dma_semaphore, #tpu.memory_space<semaphore_mem>>) src(%dma_wait3A_122 : memref<2000xi32, #tpu.memory_space<hbm>>) dst(%arg7 : memref<2000xi32, #tpu.memory_space<vmem>>)
    %add3A_123 = arith.constant 6000 : i32
    %add3A_124 = arith.addi %mul3A_5, %add3A_123 : i32
    %dma_start3A_125 = tpu.memref_slice %arg3[%add3A_124] : memref<320000xi32, #tpu.memory_space<hbm>> -> memref<2000xi32, #tpu.memory_space<hbm>>
    %dma_start3A_126 = tpu.memref_slice %arg3[%add3A_124] : memref<320000xi32, #tpu.memory_space<hbm>> -> memref<2000xi32, #tpu.memory_space<hbm>>
    tpu.enqueue_dma source(%dma_start3A_126 : memref<2000xi32, #tpu.memory_space<hbm>>) target(%arg6 : memref<2000xi32, #tpu.memory_space<vmem>>) target_semaphore(%arg10 : memref<!tpu.dma_semaphore, #tpu.memory_space<semaphore_mem>>)
    %scan3A_127 = arith.constant 0 : i32
    %scan3A_128 = arith.constant 0 : i32
    %scan3A_129 = arith.constant 125 : i32
    %scan3A_130 = arith.addi %scan3A_128, %scan3A_129 : i32
    %scan3A_131 = arith.constant 1 : i32
    %scan3A_132 = scf.for %scan3A_160 = %scan3A_128 to %scan3A_130 step %scan3A_131 iter_args(%scan3A_161 = %scan3A_127) -> (i32)  : i32 {
      %mul3A_162 = arith.constant 16 : i32
      %mul3A_163 = arith.muli %scan3A_160, %mul3A_162 : i32
      %get3A = arith.index_cast %mul3A_163 : i32 to index
      %get3A_164 = tpu.vector_load %arg7[%get3A] {strides = array<i32>} : memref<2000xi32, #tpu.memory_space<vmem>>, vector<16xi32>,
      tpu.vector_store_idx %arg9[%get3A_164], %broadcast_in_dim3A_3 {add = true} : memref<10240xf32, #tpu.memory_space<vmem>>[vector<16xi32>], vector<16xf32>,
      %scan3A_165 = arith.constant 0 : i32
      scf.yield %scan3A_165 : i32
    }
    %scan3A_133 = arith.constant 125 : i32
    %dma_wait3A_134 = arith.constant 0 : i32
    %dma_wait3A_135 = tpu.memref_slice %arg2[%dma_wait3A_134] : memref<320000xi32, #tpu.memory_space<hbm>> -> memref<2000xi32, #tpu.memory_space<hbm>>
    %dma_wait3A_136 = arith.constant 0 : i32
    %dma_wait3A_137 = tpu.memref_slice %arg2[%dma_wait3A_136] : memref<320000xi32, #tpu.memory_space<hbm>> -> memref<2000xi32, #tpu.memory_space<hbm>>
    tpu.wait_dma2 semaphore(%arg10 : memref<!tpu.dma_semaphore, #tpu.memory_space<semaphore_mem>>) src(%dma_wait3A_137 : memref<2000xi32, #tpu.memory_space<hbm>>) dst(%arg6 : memref<2000xi32, #tpu.memory_space<vmem>>)
    %add3A_138 = arith.constant 8000 : i32
    %add3A_139 = arith.addi %mul3A_5, %add3A_138 : i32
    %dma_start3A_140 = tpu.memref_slice %arg3[%add3A_139] : memref<320000xi32, #tpu.memory_space<hbm>> -> memref<2000xi32, #tpu.memory_space<hbm>>
    %dma_start3A_141 = tpu.memref_slice %arg3[%add3A_139] : memref<320000xi32, #tpu.memory_space<hbm>> -> memref<2000xi32, #tpu.memory_space<hbm>>
    tpu.enqueue_dma source(%dma_start3A_141 : memref<2000xi32, #tpu.memory_space<hbm>>) target(%arg7 : memref<2000xi32, #tpu.memory_space<vmem>>) target_semaphore(%arg11 : memref<!tpu.dma_semaphore, #tpu.memory_space<semaphore_mem>>)
    %scan3A_142 = arith.constant 0 : i32
    %scan3A_143 = arith.constant 0 : i32
    %scan3A_144 = arith.constant 125 : i32
    %scan3A_145 = arith.addi %scan3A_143, %scan3A_144 : i32
    %scan3A_146 = arith.constant 1 : i32
    %scan3A_147 = scf.for %scan3A_160 = %scan3A_143 to %scan3A_145 step %scan3A_146 iter_args(%scan3A_161 = %scan3A_142) -> (i32)  : i32 {
      %mul3A_162 = arith.constant 16 : i32
      %mul3A_163 = arith.muli %scan3A_160, %mul3A_162 : i32
      %get3A = arith.index_cast %mul3A_163 : i32 to index
      %get3A_164 = tpu.vector_load %arg6[%get3A] {strides = array<i32>} : memref<2000xi32, #tpu.memory_space<vmem>>, vector<16xi32>,
      tpu.vector_store_idx %arg9[%get3A_164], %broadcast_in_dim3A_3 {add = true} : memref<10240xf32, #tpu.memory_space<vmem>>[vector<16xi32>], vector<16xf32>,
      %scan3A_165 = arith.constant 0 : i32
      scf.yield %scan3A_165 : i32
    }
    %scan3A_148 = arith.constant 125 : i32
    %dma_wait3A_149 = arith.constant 0 : i32
    %dma_wait3A_150 = tpu.memref_slice %arg2[%dma_wait3A_149] : memref<320000xi32, #tpu.memory_space<hbm>> -> memref<2000xi32, #tpu.memory_space<hbm>>
    %dma_wait3A_151 = arith.constant 0 : i32
    %dma_wait3A_152 = tpu.memref_slice %arg2[%dma_wait3A_151] : memref<320000xi32, #tpu.memory_space<hbm>> -> memref<2000xi32, #tpu.memory_space<hbm>>
    tpu.wait_dma2 semaphore(%arg11 : memref<!tpu.dma_semaphore, #tpu.memory_space<semaphore_mem>>) src(%dma_wait3A_152 : memref<2000xi32, #tpu.memory_space<hbm>>) dst(%arg7 : memref<2000xi32, #tpu.memory_space<vmem>>)
    %scan3A_153 = arith.constant 0 : i32
    %scan3A_154 = arith.constant 0 : i32
    %scan3A_155 = arith.constant 125 : i32
    %scan3A_156 = arith.addi %scan3A_154, %scan3A_155 : i32
    %scan3A_157 = arith.constant 1 : i32
    %scan3A_158 = scf.for %scan3A_160 = %scan3A_154 to %scan3A_156 step %scan3A_157 iter_args(%scan3A_161 = %scan3A_153) -> (i32)  : i32 {
      %mul3A_162 = arith.constant 16 : i32
      %mul3A_163 = arith.muli %scan3A_160, %mul3A_162 : i32
      %get3A = arith.index_cast %mul3A_163 : i32 to index
      %get3A_164 = tpu.vector_load %arg7[%get3A] {strides = array<i32>} : memref<2000xi32, #tpu.memory_space<vmem>>, vector<16xi32>,
      tpu.vector_store_idx %arg9[%get3A_164], %broadcast_in_dim3A_3 {add = true} : memref<10240xf32, #tpu.memory_space<vmem>>[vector<16xi32>], vector<16xf32>,
      %scan3A_165 = arith.constant 0 : i32
      scf.yield %scan3A_165 : i32
    }
    %scan3A_159 = arith.constant 125 : i32
    "tpu.region"() ({
      %run_scoped3A = tpu.sem_alloc : memref<!tpu.dma_semaphore, #tpu.memory_space<semaphore_mem>>
      %dma_start3A_160 = arith.constant 0 : i32
      %dma_start3A_161 = tpu.memref_slice %arg4[%add3A, %dma_start3A_160] : memref<32x10240xf32, #tpu.memory_space<hbm>> -> memref<1x10240xf32, #tpu.memory_space<hbm>>
      %dma_start3A_162 = tpu.memref_squeeze %dma_start3A_161 : memref<1x10240xf32, #tpu.memory_space<hbm>> -> memref<10240xf32, #tpu.memory_space<hbm>>
      %dma_start3A_163 = arith.constant 0 : i32
      %dma_start3A_164 = tpu.memref_slice %arg4[%add3A, %dma_start3A_163] : memref<32x10240xf32, #tpu.memory_space<hbm>> -> memref<1x10240xf32, #tpu.memory_space<hbm>>
      %dma_start3A_165 = tpu.memref_squeeze %dma_start3A_164 : memref<1x10240xf32, #tpu.memory_space<hbm>> -> memref<10240xf32, #tpu.memory_space<hbm>>
      tpu.enqueue_dma source(%arg8 : memref<10240xf32, #tpu.memory_space<vmem>>) target(%dma_start3A_165 : memref<10240xf32, #tpu.memory_space<hbm>>) target_semaphore(%run_scoped3A : memref<!tpu.dma_semaphore, #tpu.memory_space<semaphore_mem>>)
      %dma_wait3A_166 = arith.constant 0 : i32
      %dma_wait3A_167 = tpu.memref_slice %arg4[%add3A, %dma_wait3A_166] : memref<32x10240xf32, #tpu.memory_space<hbm>> -> memref<1x10240xf32, #tpu.memory_space<hbm>>
      %dma_wait3A_168 = tpu.memref_squeeze %dma_wait3A_167 : memref<1x10240xf32, #tpu.memory_space<hbm>> -> memref<10240xf32, #tpu.memory_space<hbm>>
      %dma_wait3A_169 = arith.constant 0 : i32
      %dma_wait3A_170 = tpu.memref_slice %arg4[%add3A, %dma_wait3A_169] : memref<32x10240xf32, #tpu.memory_space<hbm>> -> memref<1x10240xf32, #tpu.memory_space<hbm>>
      %dma_wait3A_171 = tpu.memref_squeeze %dma_wait3A_170 : memref<1x10240xf32, #tpu.memory_space<hbm>> -> memref<10240xf32, #tpu.memory_space<hbm>>
      tpu.wait_dma2 semaphore(%run_scoped3A : memref<!tpu.dma_semaphore, #tpu.memory_space<semaphore_mem>>) src(%arg8 : memref<10240xf32, #tpu.memory_space<vmem>>) dst(%dma_wait3A_171 : memref<10240xf32, #tpu.memory_space<hbm>>)
      tpu.yield
    }) : () -> ()
    "tpu.region"() ({
      %run_scoped3A = tpu.sem_alloc : memref<!tpu.dma_semaphore, #tpu.memory_space<semaphore_mem>>
      %dma_start3A_160 = arith.constant 0 : i32
      %dma_start3A_161 = tpu.memref_slice %arg5[%add3A, %dma_start3A_160] : memref<32x10240xf32, #tpu.memory_space<hbm>> -> memref<1x10240xf32, #tpu.memory_space<hbm>>
      %dma_start3A_162 = tpu.memref_squeeze %dma_start3A_161 : memref<1x10240xf32, #tpu.memory_space<hbm>> -> memref<10240xf32, #tpu.memory_space<hbm>>
      %dma_start3A_163 = arith.constant 0 : i32
      %dma_start3A_164 = tpu.memref_slice %arg5[%add3A, %dma_start3A_163] : memref<32x10240xf32, #tpu.memory_space<hbm>> -> memref<1x10240xf32, #tpu.memory_space<hbm>>
      %dma_start3A_165 = tpu.memref_squeeze %dma_start3A_164 : memref<1x10240xf32, #tpu.memory_space<hbm>> -> memref<10240xf32, #tpu.memory_space<hbm>>
      tpu.enqueue_dma source(%arg9 : memref<10240xf32, #tpu.memory_space<vmem>>) target(%dma_start3A_165 : memref<10240xf32, #tpu.memory_space<hbm>>) target_semaphore(%run_scoped3A : memref<!tpu.dma_semaphore, #tpu.memory_space<semaphore_mem>>)
      %dma_wait3A_166 = arith.constant 0 : i32
      %dma_wait3A_167 = tpu.memref_slice %arg5[%add3A, %dma_wait3A_166] : memref<32x10240xf32, #tpu.memory_space<hbm>> -> memref<1x10240xf32, #tpu.memory_space<hbm>>
      %dma_wait3A_168 = tpu.memref_squeeze %dma_wait3A_167 : memref<1x10240xf32, #tpu.memory_space<hbm>> -> memref<10240xf32, #tpu.memory_space<hbm>>
      %dma_wait3A_169 = arith.constant 0 : i32
      %dma_wait3A_170 = tpu.memref_slice %arg5[%add3A, %dma_wait3A_169] : memref<32x10240xf32, #tpu.memory_space<hbm>> -> memref<1x10240xf32, #tpu.memory_space<hbm>>
      %dma_wait3A_171 = tpu.memref_squeeze %dma_wait3A_170 : memref<1x10240xf32, #tpu.memory_space<hbm>> -> memref<10240xf32, #tpu.memory_space<hbm>>
      tpu.wait_dma2 semaphore(%run_scoped3A : memref<!tpu.dma_semaphore, #tpu.memory_space<semaphore_mem>>) src(%arg9 : memref<10240xf32, #tpu.memory_space<vmem>>) dst(%dma_wait3A_171 : memref<10240xf32, #tpu.memory_space<hbm>>)
      tpu.yield
    }) : () -> ()
    return
  }
}

#map = affine_map<(d0, d1) -> (0, 0)>
#map1 = affine_map<(d0, d1) -> (0)>
#map2 = affine_map<(d0, d1) -> (0, 0, 0)>
module attributes {stable_mosaic.version = 14 : i64} {
  func.func @_sc_message(%arg0: i32, %arg1: i32, %arg2: memref<10000x128xf32, #tpu.memory_space<hbm>>, %arg3: memref<320000xi32, #tpu.memory_space<hbm>>, %arg4: memref<320000xi32, #tpu.memory_space<hbm>>, %arg5: memref<2x10240x128xf32, #tpu.memory_space<hbm>>, %arg6: memref<10000xi32, #tpu.memory_space<vmem>>, %arg7: memref<80xi32, #tpu.memory_space<vmem>>, %arg8: memref<80xi32, #tpu.memory_space<vmem>>, %arg9: memref<80xi32, #tpu.memory_space<vmem>>, %arg10: memref<80x128xf32, #tpu.memory_space<vmem>>, %arg11: memref<80x128xf32, #tpu.memory_space<vmem>>, %arg12: memref<80x128xf32, #tpu.memory_space<vmem>>, %arg13: memref<10240x128xf32, #tpu.memory_space<vmem_shared>>, %arg14: memref<!tpu.dma_semaphore, #tpu.memory_space<semaphore_mem>>, %arg15: memref<!tpu.dma_semaphore, #tpu.memory_space<semaphore_mem>>, %arg16: memref<!tpu.dma_semaphore, #tpu.memory_space<semaphore_mem>>, %arg17: memref<!tpu.dma_semaphore, #tpu.memory_space<semaphore_mem>>, %arg18: memref<!tpu.dma_semaphore, #tpu.memory_space<semaphore_mem>>, %arg19: memref<!tpu.dma_semaphore, #tpu.memory_space<semaphore_mem>>) attributes {dimension_semantics = [#tpu.dimension_semantics<core_parallel>, #tpu.dimension_semantics<subcore_parallel>], iteration_bounds = array<i64: 2, 16>, scalar_prefetch = 0 : i64, scratch_operands = 14 : i64, tpu.core_type = #tpu.core_type<sc_vector_subcore>, window_params = [{transform_indices = #map}, {transform_indices = #map1}, {transform_indices = #map1}, {transform_indices = #map2}]} {
    %mul3A = arith.constant 2 : i32
    %mul3A_0 = arith.muli %arg1, %mul3A : i32
    %add3A = arith.addi %mul3A_0, %arg0 : i32
    %mul3A_1 = arith.constant 10000 : i32
    %mul3A_2 = arith.muli %add3A, %mul3A_1 : i32
    %broadcast_in_dim3A = arith.constant 0.000000e+00 : f32
    %broadcast_in_dim3A_3 = vector.broadcast %broadcast_in_dim3A : f32 to vector<16xf32>
    "tpu.region"() ({
      %run_scoped3A = tpu.sem_alloc : memref<!tpu.dma_semaphore, #tpu.memory_space<semaphore_mem>>
      %dma_start3A_67 = tpu.memref_slice %arg3[%mul3A_2] : memref<320000xi32, #tpu.memory_space<hbm>> -> memref<10000xi32, #tpu.memory_space<hbm>>
      %dma_start3A_68 = tpu.memref_slice %arg3[%mul3A_2] : memref<320000xi32, #tpu.memory_space<hbm>> -> memref<10000xi32, #tpu.memory_space<hbm>>
      tpu.enqueue_dma source(%dma_start3A_68 : memref<10000xi32, #tpu.memory_space<hbm>>) target(%arg6 : memref<10000xi32, #tpu.memory_space<vmem>>) target_semaphore(%run_scoped3A : memref<!tpu.dma_semaphore, #tpu.memory_space<semaphore_mem>>)
      %dma_wait3A_69 = tpu.memref_slice %arg3[%mul3A_2] : memref<320000xi32, #tpu.memory_space<hbm>> -> memref<10000xi32, #tpu.memory_space<hbm>>
      %dma_wait3A_70 = tpu.memref_slice %arg3[%mul3A_2] : memref<320000xi32, #tpu.memory_space<hbm>> -> memref<10000xi32, #tpu.memory_space<hbm>>
      tpu.wait_dma2 semaphore(%run_scoped3A : memref<!tpu.dma_semaphore, #tpu.memory_space<semaphore_mem>>) src(%dma_wait3A_70 : memref<10000xi32, #tpu.memory_space<hbm>>) dst(%arg6 : memref<10000xi32, #tpu.memory_space<vmem>>)
      tpu.yield
    }) : () -> ()
    %add3A_4 = arith.constant 0 : i32
    %add3A_5 = arith.addi %mul3A_2, %add3A_4 : i32
    %dma_start3A = tpu.memref_slice %arg4[%add3A_5] : memref<320000xi32, #tpu.memory_space<hbm>> -> memref<80xi32, #tpu.memory_space<hbm>>
    %dma_start3A_6 = tpu.memref_slice %arg4[%add3A_5] : memref<320000xi32, #tpu.memory_space<hbm>> -> memref<80xi32, #tpu.memory_space<hbm>>
    tpu.enqueue_dma source(%dma_start3A_6 : memref<80xi32, #tpu.memory_space<hbm>>) target(%arg7 : memref<80xi32, #tpu.memory_space<vmem>>) target_semaphore(%arg17 : memref<!tpu.dma_semaphore, #tpu.memory_space<semaphore_mem>>)
    %add3A_7 = arith.constant 80 : i32
    %add3A_8 = arith.addi %mul3A_2, %add3A_7 : i32
    %dma_start3A_9 = tpu.memref_slice %arg4[%add3A_8] : memref<320000xi32, #tpu.memory_space<hbm>> -> memref<80xi32, #tpu.memory_space<hbm>>
    %dma_start3A_10 = tpu.memref_slice %arg4[%add3A_8] : memref<320000xi32, #tpu.memory_space<hbm>> -> memref<80xi32, #tpu.memory_space<hbm>>
    tpu.enqueue_dma source(%dma_start3A_10 : memref<80xi32, #tpu.memory_space<hbm>>) target(%arg8 : memref<80xi32, #tpu.memory_space<vmem>>) target_semaphore(%arg18 : memref<!tpu.dma_semaphore, #tpu.memory_space<semaphore_mem>>)
    %add3A_11 = arith.constant 160 : i32
    %add3A_12 = arith.addi %mul3A_2, %add3A_11 : i32
    %dma_start3A_13 = tpu.memref_slice %arg4[%add3A_12] : memref<320000xi32, #tpu.memory_space<hbm>> -> memref<80xi32, #tpu.memory_space<hbm>>
    %dma_start3A_14 = tpu.memref_slice %arg4[%add3A_12] : memref<320000xi32, #tpu.memory_space<hbm>> -> memref<80xi32, #tpu.memory_space<hbm>>
    tpu.enqueue_dma source(%dma_start3A_14 : memref<80xi32, #tpu.memory_space<hbm>>) target(%arg9 : memref<80xi32, #tpu.memory_space<vmem>>) target_semaphore(%arg19 : memref<!tpu.dma_semaphore, #tpu.memory_space<semaphore_mem>>)
    %scan3A = arith.constant 0 : i32
    %scan3A_15 = arith.constant 0 : i32
    %scan3A_16 = arith.constant 80 : i32
    %scan3A_17 = arith.addi %scan3A_15, %scan3A_16 : i32
    %scan3A_18 = arith.constant 1 : i32
    %scan3A_19 = scf.for %scan3A_67 = %scan3A_15 to %scan3A_17 step %scan3A_18 iter_args(%scan3A_68 = %scan3A) -> (i32)  : i32 {
      %scan3A_69 = arith.constant 0 : i32
      %scan3A_70 = arith.constant 0 : i32
      %scan3A_71 = arith.constant 8 : i32
      %scan3A_72 = arith.addi %scan3A_70, %scan3A_71 : i32
      %scan3A_73 = arith.constant 1 : i32
      %scan3A_74 = scf.for %scan3A_77 = %scan3A_70 to %scan3A_72 step %scan3A_73 iter_args(%scan3A_78 = %scan3A_69) -> (i32)  : i32 {
        %mul3A_79 = arith.constant 16 : i32
        %mul3A_80 = arith.muli %scan3A_77, %mul3A_79 : i32
        %swap3A = arith.index_cast %scan3A_67 : i32 to index
        %swap3A_81 = arith.index_cast %mul3A_80 : i32 to index
        %swap3A_82 = tpu.vector_load %arg10[%swap3A, %swap3A_81] {strides = array<i32>} : memref<80x128xf32, #tpu.memory_space<vmem>>, vector<16xf32>,
        tpu.vector_store %arg10[%swap3A, %swap3A_81], %broadcast_in_dim3A_3 {strides = array<i32>} : memref<80x128xf32, #tpu.memory_space<vmem>>, vector<16xf32>,
        %scan3A_83 = arith.constant 0 : i32
        scf.yield %scan3A_83 : i32
      }
      %scan3A_75 = arith.constant 8 : i32
      %scan3A_76 = arith.constant 0 : i32
      scf.yield %scan3A_76 : i32
    }
    %scan3A_20 = arith.constant 80 : i32
    %scan3A_21 = arith.constant 0 : i32
    %scan3A_22 = arith.constant 0 : i32
    %scan3A_23 = arith.constant 8 : i32
    %scan3A_24 = arith.addi %scan3A_22, %scan3A_23 : i32
    %scan3A_25 = arith.constant 1 : i32
    %scan3A_26 = scf.for %scan3A_67 = %scan3A_22 to %scan3A_24 step %scan3A_25 iter_args(%scan3A_68 = %scan3A_21) -> (i32)  : i32 {
      %mul3A_69 = arith.constant 640 : i32
      %mul3A_70 = arith.muli %arg1, %mul3A_69 : i32
      %mul3A_71 = arith.constant 80 : i32
      %mul3A_72 = arith.muli %scan3A_67, %mul3A_71 : i32
      %add3A_73 = arith.addi %mul3A_70, %mul3A_72 : i32
      "tpu.region"() ({
        %run_scoped3A = tpu.sem_alloc : memref<!tpu.dma_semaphore, #tpu.memory_space<semaphore_mem>>
        %dma_start3A_75 = arith.constant 0 : i32
        %dma_start3A_76 = tpu.memref_slice %arg13[%add3A_73, %dma_start3A_75] : memref<10240x128xf32, #tpu.memory_space<vmem_shared>> -> memref<80x128xf32, #tpu.memory_space<vmem_shared>>
        %dma_start3A_77 = arith.constant 0 : i32
        %dma_start3A_78 = tpu.memref_slice %arg13[%add3A_73, %dma_start3A_77] : memref<10240x128xf32, #tpu.memory_space<vmem_shared>> -> memref<80x128xf32, #tpu.memory_space<vmem_shared>>
        tpu.enqueue_dma source(%arg10 : memref<80x128xf32, #tpu.memory_space<vmem>>) target(%dma_start3A_78 : memref<80x128xf32, #tpu.memory_space<vmem_shared>>) target_semaphore(%run_scoped3A : memref<!tpu.dma_semaphore, #tpu.memory_space<semaphore_mem>>)
        %dma_wait3A_79 = arith.constant 0 : i32
        %dma_wait3A_80 = tpu.memref_slice %arg13[%add3A_73, %dma_wait3A_79] : memref<10240x128xf32, #tpu.memory_space<vmem_shared>> -> memref<80x128xf32, #tpu.memory_space<vmem_shared>>
        %dma_wait3A_81 = arith.constant 0 : i32
        %dma_wait3A_82 = tpu.memref_slice %arg13[%add3A_73, %dma_wait3A_81] : memref<10240x128xf32, #tpu.memory_space<vmem_shared>> -> memref<80x128xf32, #tpu.memory_space<vmem_shared>>
        tpu.wait_dma2 semaphore(%run_scoped3A : memref<!tpu.dma_semaphore, #tpu.memory_space<semaphore_mem>>) src(%arg10 : memref<80x128xf32, #tpu.memory_space<vmem>>) dst(%dma_wait3A_82 : memref<80x128xf32, #tpu.memory_space<vmem_shared>>)
        tpu.yield
      }) : () -> ()
      %scan3A_74 = arith.constant 0 : i32
      scf.yield %scan3A_74 : i32
    }
    %scan3A_27 = arith.constant 8 : i32
    %barrier3A = arith.constant 0 : index
    tpu.barrier barrier_id(%barrier3A)
    %dma_start3A_28 = arith.constant 0 : i32
    %dma_start3A_29 = tpu.memref_slice %arg6[%dma_start3A_28] : memref<10000xi32, #tpu.memory_space<vmem>> -> memref<80xi32, #tpu.memory_space<vmem>>
    %dma_start3A_30 = arith.constant 0 : i32
    %dma_start3A_31 = arith.constant 0 : i32
    %dma_start3A_32 = tpu.memref_slice %arg2[%dma_start3A_30, %dma_start3A_31] : memref<10000x128xf32, #tpu.memory_space<hbm>> -> memref<10000x128xf32, #tpu.memory_space<hbm>>
    tpu.enqueue_indirect_dma source(%dma_start3A_32 : memref<10000x128xf32, #tpu.memory_space<hbm>>) target(%arg10 : memref<80x128xf32, #tpu.memory_space<vmem>>) offsets(%dma_start3A_29 : memref<80xi32, #tpu.memory_space<vmem>>) semaphore(%arg14 : memref<!tpu.dma_semaphore, #tpu.memory_space<semaphore_mem>>)
    %dma_start3A_33 = arith.constant 80 : i32
    %dma_start3A_34 = tpu.memref_slice %arg6[%dma_start3A_33] : memref<10000xi32, #tpu.memory_space<vmem>> -> memref<80xi32, #tpu.memory_space<vmem>>
    %dma_start3A_35 = arith.constant 0 : i32
    %dma_start3A_36 = arith.constant 0 : i32
    %dma_start3A_37 = tpu.memref_slice %arg2[%dma_start3A_35, %dma_start3A_36] : memref<10000x128xf32, #tpu.memory_space<hbm>> -> memref<10000x128xf32, #tpu.memory_space<hbm>>
    tpu.enqueue_indirect_dma source(%dma_start3A_37 : memref<10000x128xf32, #tpu.memory_space<hbm>>) target(%arg11 : memref<80x128xf32, #tpu.memory_space<vmem>>) offsets(%dma_start3A_34 : memref<80xi32, #tpu.memory_space<vmem>>) semaphore(%arg15 : memref<!tpu.dma_semaphore, #tpu.memory_space<semaphore_mem>>)
    %scan3A_38 = arith.constant 0 : i32
    %scan3A_39 = arith.constant 0 : i32
    %scan3A_40 = arith.constant 41 : i32
    %scan3A_41 = arith.addi %scan3A_39, %scan3A_40 : i32
    %scan3A_42 = arith.constant 1 : i32
    %scan3A_43 = scf.for %scan3A_67 = %scan3A_39 to %scan3A_41 step %scan3A_42 iter_args(%scan3A_68 = %scan3A_38) -> (i32)  : i32 {
      %mul3A_69 = arith.constant 3 : i32
      %mul3A_70 = arith.muli %mul3A_69, %scan3A_67 : i32
      %dma_wait3A_71 = arith.constant 0 : i32
      %dma_wait3A_72 = tpu.memref_slice %arg6[%dma_wait3A_71] : memref<10000xi32, #tpu.memory_space<vmem>> -> memref<80xi32, #tpu.memory_space<vmem>>
      %dma_wait3A_73 = arith.constant 0 : i32
      %dma_wait3A_74 = arith.constant 0 : i32
      %dma_wait3A_75 = tpu.memref_slice %arg2[%dma_wait3A_73, %dma_wait3A_74] : memref<10000x128xf32, #tpu.memory_space<hbm>> -> memref<10000x128xf32, #tpu.memory_space<hbm>>
      tpu.wait_indirect_dma semaphore(%arg14 : memref<!tpu.dma_semaphore, #tpu.memory_space<semaphore_mem>>) src(%dma_wait3A_75 : memref<10000x128xf32, #tpu.memory_space<hbm>>) dst(%arg10 : memref<80x128xf32, #tpu.memory_space<vmem>>)
      %add3A_76 = arith.constant 2 : i32
      %add3A_77 = arith.addi %mul3A_70, %add3A_76 : i32
      %mul3A_78 = arith.constant 80 : i32
      %mul3A_79 = arith.muli %add3A_77, %mul3A_78 : i32
      %dma_start3A_80 = tpu.memref_slice %arg6[%mul3A_79] : memref<10000xi32, #tpu.memory_space<vmem>> -> memref<80xi32, #tpu.memory_space<vmem>>
      %dma_start3A_81 = arith.constant 0 : i32
      %dma_start3A_82 = arith.constant 0 : i32
      %dma_start3A_83 = tpu.memref_slice %arg2[%dma_start3A_81, %dma_start3A_82] : memref<10000x128xf32, #tpu.memory_space<hbm>> -> memref<10000x128xf32, #tpu.memory_space<hbm>>
      tpu.enqueue_indirect_dma source(%dma_start3A_83 : memref<10000x128xf32, #tpu.memory_space<hbm>>) target(%arg12 : memref<80x128xf32, #tpu.memory_space<vmem>>) offsets(%dma_start3A_80 : memref<80xi32, #tpu.memory_space<vmem>>) semaphore(%arg16 : memref<!tpu.dma_semaphore, #tpu.memory_space<semaphore_mem>>)
      %dma_wait3A_84 = arith.constant 0 : i32
      %dma_wait3A_85 = tpu.memref_slice %arg4[%dma_wait3A_84] : memref<320000xi32, #tpu.memory_space<hbm>> -> memref<80xi32, #tpu.memory_space<hbm>>
      %dma_wait3A_86 = arith.constant 0 : i32
      %dma_wait3A_87 = tpu.memref_slice %arg4[%dma_wait3A_86] : memref<320000xi32, #tpu.memory_space<hbm>> -> memref<80xi32, #tpu.memory_space<hbm>>
      tpu.wait_dma2 semaphore(%arg17 : memref<!tpu.dma_semaphore, #tpu.memory_space<semaphore_mem>>) src(%dma_wait3A_87 : memref<80xi32, #tpu.memory_space<hbm>>) dst(%arg7 : memref<80xi32, #tpu.memory_space<vmem>>)
      "tpu.region"() ({
        %run_scoped3A = tpu.sem_alloc : memref<!tpu.dma_semaphore, #tpu.memory_space<semaphore_mem>>
        %dma_start3A_145 = arith.constant 0 : i32
        %dma_start3A_146 = arith.constant 0 : i32
        %dma_start3A_147 = tpu.memref_slice %arg13[%dma_start3A_145, %dma_start3A_146] : memref<10240x128xf32, #tpu.memory_space<vmem_shared>> -> memref<10240x128xf32, #tpu.memory_space<vmem_shared>>
        tpu.enqueue_indirect_dma source(%arg10 : memref<80x128xf32, #tpu.memory_space<vmem>>) target(%dma_start3A_147 : memref<10240x128xf32, #tpu.memory_space<vmem_shared>>) offsets(%arg7 : memref<80xi32, #tpu.memory_space<vmem>>) semaphore(%run_scoped3A : memref<!tpu.dma_semaphore, #tpu.memory_space<semaphore_mem>>) {add = true}
        %dma_wait3A_148 = arith.constant 0 : i32
        %dma_wait3A_149 = arith.constant 0 : i32
        %dma_wait3A_150 = tpu.memref_slice %arg13[%dma_wait3A_148, %dma_wait3A_149] : memref<10240x128xf32, #tpu.memory_space<vmem_shared>> -> memref<10240x128xf32, #tpu.memory_space<vmem_shared>>
        tpu.wait_indirect_dma semaphore(%run_scoped3A : memref<!tpu.dma_semaphore, #tpu.memory_space<semaphore_mem>>) src(%arg10 : memref<80x128xf32, #tpu.memory_space<vmem>>) dst(%dma_wait3A_150 : memref<10240x128xf32, #tpu.memory_space<vmem_shared>>)
        tpu.yield
      }) : () -> ()
      %add3A_88 = arith.constant 3 : i32
      %add3A_89 = arith.addi %mul3A_70, %add3A_88 : i32
      %lt3A = arith.constant 125 : i32
      %lt3A_90 = arith.cmpi slt, %add3A_89, %lt3A : i32
      %convert_element_type3A = arith.extui %lt3A_90 : i1 to i32
      %cond3A = arith.constant 0 : i32
      %cond3A_91 = arith.cmpi ne, %convert_element_type3A, %cond3A : i32
      scf.if %cond3A_91 {
        %add3A_145 = arith.constant 3 : i32
        %add3A_146 = arith.addi %mul3A_70, %add3A_145 : i32
        %mul3A_147 = arith.constant 80 : i32
        %mul3A_148 = arith.muli %add3A_146, %mul3A_147 : i32
        %add3A_149 = arith.addi %mul3A_2, %mul3A_148 : i32
        %dma_start3A_150 = tpu.memref_slice %arg4[%add3A_149] : memref<320000xi32, #tpu.memory_space<hbm>> -> memref<80xi32, #tpu.memory_space<hbm>>
        %dma_start3A_151 = tpu.memref_slice %arg4[%add3A_149] : memref<320000xi32, #tpu.memory_space<hbm>> -> memref<80xi32, #tpu.memory_space<hbm>>
        tpu.enqueue_dma source(%dma_start3A_151 : memref<80xi32, #tpu.memory_space<hbm>>) target(%arg7 : memref<80xi32, #tpu.memory_space<vmem>>) target_semaphore(%arg17 : memref<!tpu.dma_semaphore, #tpu.memory_space<semaphore_mem>>)
      } else {
      }
      %add3A_92 = arith.constant 1 : i32
      %add3A_93 = arith.addi %mul3A_70, %add3A_92 : i32
      %dma_wait3A_94 = arith.constant 0 : i32
      %dma_wait3A_95 = tpu.memref_slice %arg6[%dma_wait3A_94] : memref<10000xi32, #tpu.memory_space<vmem>> -> memref<80xi32, #tpu.memory_space<vmem>>
      %dma_wait3A_96 = arith.constant 0 : i32
      %dma_wait3A_97 = arith.constant 0 : i32
      %dma_wait3A_98 = tpu.memref_slice %arg2[%dma_wait3A_96, %dma_wait3A_97] : memref<10000x128xf32, #tpu.memory_space<hbm>> -> memref<10000x128xf32, #tpu.memory_space<hbm>>
      tpu.wait_indirect_dma semaphore(%arg15 : memref<!tpu.dma_semaphore, #tpu.memory_space<semaphore_mem>>) src(%dma_wait3A_98 : memref<10000x128xf32, #tpu.memory_space<hbm>>) dst(%arg11 : memref<80x128xf32, #tpu.memory_space<vmem>>)
      %add3A_99 = arith.constant 2 : i32
      %add3A_100 = arith.addi %add3A_93, %add3A_99 : i32
      %mul3A_101 = arith.constant 80 : i32
      %mul3A_102 = arith.muli %add3A_100, %mul3A_101 : i32
      %dma_start3A_103 = tpu.memref_slice %arg6[%mul3A_102] : memref<10000xi32, #tpu.memory_space<vmem>> -> memref<80xi32, #tpu.memory_space<vmem>>
      %dma_start3A_104 = arith.constant 0 : i32
      %dma_start3A_105 = arith.constant 0 : i32
      %dma_start3A_106 = tpu.memref_slice %arg2[%dma_start3A_104, %dma_start3A_105] : memref<10000x128xf32, #tpu.memory_space<hbm>> -> memref<10000x128xf32, #tpu.memory_space<hbm>>
      tpu.enqueue_indirect_dma source(%dma_start3A_106 : memref<10000x128xf32, #tpu.memory_space<hbm>>) target(%arg10 : memref<80x128xf32, #tpu.memory_space<vmem>>) offsets(%dma_start3A_103 : memref<80xi32, #tpu.memory_space<vmem>>) semaphore(%arg14 : memref<!tpu.dma_semaphore, #tpu.memory_space<semaphore_mem>>)
      %dma_wait3A_107 = arith.constant 0 : i32
      %dma_wait3A_108 = tpu.memref_slice %arg4[%dma_wait3A_107] : memref<320000xi32, #tpu.memory_space<hbm>> -> memref<80xi32, #tpu.memory_space<hbm>>
      %dma_wait3A_109 = arith.constant 0 : i32
      %dma_wait3A_110 = tpu.memref_slice %arg4[%dma_wait3A_109] : memref<320000xi32, #tpu.memory_space<hbm>> -> memref<80xi32, #tpu.memory_space<hbm>>
      tpu.wait_dma2 semaphore(%arg18 : memref<!tpu.dma_semaphore, #tpu.memory_space<semaphore_mem>>) src(%dma_wait3A_110 : memref<80xi32, #tpu.memory_space<hbm>>) dst(%arg8 : memref<80xi32, #tpu.memory_space<vmem>>)
      "tpu.region"() ({
        %run_scoped3A = tpu.sem_alloc : memref<!tpu.dma_semaphore, #tpu.memory_space<semaphore_mem>>
        %dma_start3A_145 = arith.constant 0 : i32
        %dma_start3A_146 = arith.constant 0 : i32
        %dma_start3A_147 = tpu.memref_slice %arg13[%dma_start3A_145, %dma_start3A_146] : memref<10240x128xf32, #tpu.memory_space<vmem_shared>> -> memref<10240x128xf32, #tpu.memory_space<vmem_shared>>
        tpu.enqueue_indirect_dma source(%arg11 : memref<80x128xf32, #tpu.memory_space<vmem>>) target(%dma_start3A_147 : memref<10240x128xf32, #tpu.memory_space<vmem_shared>>) offsets(%arg8 : memref<80xi32, #tpu.memory_space<vmem>>) semaphore(%run_scoped3A : memref<!tpu.dma_semaphore, #tpu.memory_space<semaphore_mem>>) {add = true}
        %dma_wait3A_148 = arith.constant 0 : i32
        %dma_wait3A_149 = arith.constant 0 : i32
        %dma_wait3A_150 = tpu.memref_slice %arg13[%dma_wait3A_148, %dma_wait3A_149] : memref<10240x128xf32, #tpu.memory_space<vmem_shared>> -> memref<10240x128xf32, #tpu.memory_space<vmem_shared>>
        tpu.wait_indirect_dma semaphore(%run_scoped3A : memref<!tpu.dma_semaphore, #tpu.memory_space<semaphore_mem>>) src(%arg11 : memref<80x128xf32, #tpu.memory_space<vmem>>) dst(%dma_wait3A_150 : memref<10240x128xf32, #tpu.memory_space<vmem_shared>>)
        tpu.yield
      }) : () -> ()
      %add3A_111 = arith.constant 3 : i32
      %add3A_112 = arith.addi %add3A_93, %add3A_111 : i32
      %lt3A_113 = arith.constant 125 : i32
      %lt3A_114 = arith.cmpi slt, %add3A_112, %lt3A_113 : i32
      %convert_element_type3A_115 = arith.extui %lt3A_114 : i1 to i32
      %cond3A_116 = arith.constant 0 : i32
      %cond3A_117 = arith.cmpi ne, %convert_element_type3A_115, %cond3A_116 : i32
      scf.if %cond3A_117 {
        %add3A_145 = arith.constant 3 : i32
        %add3A_146 = arith.addi %add3A_93, %add3A_145 : i32
        %mul3A_147 = arith.constant 80 : i32
        %mul3A_148 = arith.muli %add3A_146, %mul3A_147 : i32
        %add3A_149 = arith.addi %mul3A_2, %mul3A_148 : i32
        %dma_start3A_150 = tpu.memref_slice %arg4[%add3A_149] : memref<320000xi32, #tpu.memory_space<hbm>> -> memref<80xi32, #tpu.memory_space<hbm>>
        %dma_start3A_151 = tpu.memref_slice %arg4[%add3A_149] : memref<320000xi32, #tpu.memory_space<hbm>> -> memref<80xi32, #tpu.memory_space<hbm>>
        tpu.enqueue_dma source(%dma_start3A_151 : memref<80xi32, #tpu.memory_space<hbm>>) target(%arg8 : memref<80xi32, #tpu.memory_space<vmem>>) target_semaphore(%arg18 : memref<!tpu.dma_semaphore, #tpu.memory_space<semaphore_mem>>)
      } else {
      }
      %add3A_118 = arith.constant 2 : i32
      %add3A_119 = arith.addi %mul3A_70, %add3A_118 : i32
      %dma_wait3A_120 = arith.constant 0 : i32
      %dma_wait3A_121 = tpu.memref_slice %arg6[%dma_wait3A_120] : memref<10000xi32, #tpu.memory_space<vmem>> -> memref<80xi32, #tpu.memory_space<vmem>>
      %dma_wait3A_122 = arith.constant 0 : i32
      %dma_wait3A_123 = arith.constant 0 : i32
      %dma_wait3A_124 = tpu.memref_slice %arg2[%dma_wait3A_122, %dma_wait3A_123] : memref<10000x128xf32, #tpu.memory_space<hbm>> -> memref<10000x128xf32, #tpu.memory_space<hbm>>
      tpu.wait_indirect_dma semaphore(%arg16 : memref<!tpu.dma_semaphore, #tpu.memory_space<semaphore_mem>>) src(%dma_wait3A_124 : memref<10000x128xf32, #tpu.memory_space<hbm>>) dst(%arg12 : memref<80x128xf32, #tpu.memory_space<vmem>>)
      %add3A_125 = arith.constant 2 : i32
      %add3A_126 = arith.addi %add3A_119, %add3A_125 : i32
      %mul3A_127 = arith.constant 80 : i32
      %mul3A_128 = arith.muli %add3A_126, %mul3A_127 : i32
      %dma_start3A_129 = tpu.memref_slice %arg6[%mul3A_128] : memref<10000xi32, #tpu.memory_space<vmem>> -> memref<80xi32, #tpu.memory_space<vmem>>
      %dma_start3A_130 = arith.constant 0 : i32
      %dma_start3A_131 = arith.constant 0 : i32
      %dma_start3A_132 = tpu.memref_slice %arg2[%dma_start3A_130, %dma_start3A_131] : memref<10000x128xf32, #tpu.memory_space<hbm>> -> memref<10000x128xf32, #tpu.memory_space<hbm>>
      tpu.enqueue_indirect_dma source(%dma_start3A_132 : memref<10000x128xf32, #tpu.memory_space<hbm>>) target(%arg11 : memref<80x128xf32, #tpu.memory_space<vmem>>) offsets(%dma_start3A_129 : memref<80xi32, #tpu.memory_space<vmem>>) semaphore(%arg15 : memref<!tpu.dma_semaphore, #tpu.memory_space<semaphore_mem>>)
      %dma_wait3A_133 = arith.constant 0 : i32
      %dma_wait3A_134 = tpu.memref_slice %arg4[%dma_wait3A_133] : memref<320000xi32, #tpu.memory_space<hbm>> -> memref<80xi32, #tpu.memory_space<hbm>>
      %dma_wait3A_135 = arith.constant 0 : i32
      %dma_wait3A_136 = tpu.memref_slice %arg4[%dma_wait3A_135] : memref<320000xi32, #tpu.memory_space<hbm>> -> memref<80xi32, #tpu.memory_space<hbm>>
      tpu.wait_dma2 semaphore(%arg19 : memref<!tpu.dma_semaphore, #tpu.memory_space<semaphore_mem>>) src(%dma_wait3A_136 : memref<80xi32, #tpu.memory_space<hbm>>) dst(%arg9 : memref<80xi32, #tpu.memory_space<vmem>>)
      "tpu.region"() ({
        %run_scoped3A = tpu.sem_alloc : memref<!tpu.dma_semaphore, #tpu.memory_space<semaphore_mem>>
        %dma_start3A_145 = arith.constant 0 : i32
        %dma_start3A_146 = arith.constant 0 : i32
        %dma_start3A_147 = tpu.memref_slice %arg13[%dma_start3A_145, %dma_start3A_146] : memref<10240x128xf32, #tpu.memory_space<vmem_shared>> -> memref<10240x128xf32, #tpu.memory_space<vmem_shared>>
        tpu.enqueue_indirect_dma source(%arg12 : memref<80x128xf32, #tpu.memory_space<vmem>>) target(%dma_start3A_147 : memref<10240x128xf32, #tpu.memory_space<vmem_shared>>) offsets(%arg9 : memref<80xi32, #tpu.memory_space<vmem>>) semaphore(%run_scoped3A : memref<!tpu.dma_semaphore, #tpu.memory_space<semaphore_mem>>) {add = true}
        %dma_wait3A_148 = arith.constant 0 : i32
        %dma_wait3A_149 = arith.constant 0 : i32
        %dma_wait3A_150 = tpu.memref_slice %arg13[%dma_wait3A_148, %dma_wait3A_149] : memref<10240x128xf32, #tpu.memory_space<vmem_shared>> -> memref<10240x128xf32, #tpu.memory_space<vmem_shared>>
        tpu.wait_indirect_dma semaphore(%run_scoped3A : memref<!tpu.dma_semaphore, #tpu.memory_space<semaphore_mem>>) src(%arg12 : memref<80x128xf32, #tpu.memory_space<vmem>>) dst(%dma_wait3A_150 : memref<10240x128xf32, #tpu.memory_space<vmem_shared>>)
        tpu.yield
      }) : () -> ()
      %add3A_137 = arith.constant 3 : i32
      %add3A_138 = arith.addi %add3A_119, %add3A_137 : i32
      %lt3A_139 = arith.constant 125 : i32
      %lt3A_140 = arith.cmpi slt, %add3A_138, %lt3A_139 : i32
      %convert_element_type3A_141 = arith.extui %lt3A_140 : i1 to i32
      %cond3A_142 = arith.constant 0 : i32
      %cond3A_143 = arith.cmpi ne, %convert_element_type3A_141, %cond3A_142 : i32
      scf.if %cond3A_143 {
        %add3A_145 = arith.constant 3 : i32
        %add3A_146 = arith.addi %add3A_119, %add3A_145 : i32
        %mul3A_147 = arith.constant 80 : i32
        %mul3A_148 = arith.muli %add3A_146, %mul3A_147 : i32
        %add3A_149 = arith.addi %mul3A_2, %mul3A_148 : i32
        %dma_start3A_150 = tpu.memref_slice %arg4[%add3A_149] : memref<320000xi32, #tpu.memory_space<hbm>> -> memref<80xi32, #tpu.memory_space<hbm>>
        %dma_start3A_151 = tpu.memref_slice %arg4[%add3A_149] : memref<320000xi32, #tpu.memory_space<hbm>> -> memref<80xi32, #tpu.memory_space<hbm>>
        tpu.enqueue_dma source(%dma_start3A_151 : memref<80xi32, #tpu.memory_space<hbm>>) target(%arg9 : memref<80xi32, #tpu.memory_space<vmem>>) target_semaphore(%arg19 : memref<!tpu.dma_semaphore, #tpu.memory_space<semaphore_mem>>)
      } else {
      }
      %scan3A_144 = arith.constant 0 : i32
      scf.yield %scan3A_144 : i32
    }
    %scan3A_44 = arith.constant 41 : i32
    %dma_wait3A = arith.constant 0 : i32
    %dma_wait3A_45 = tpu.memref_slice %arg6[%dma_wait3A] : memref<10000xi32, #tpu.memory_space<vmem>> -> memref<80xi32, #tpu.memory_space<vmem>>
    %dma_wait3A_46 = arith.constant 0 : i32
    %dma_wait3A_47 = arith.constant 0 : i32
    %dma_wait3A_48 = tpu.memref_slice %arg2[%dma_wait3A_46, %dma_wait3A_47] : memref<10000x128xf32, #tpu.memory_space<hbm>> -> memref<10000x128xf32, #tpu.memory_space<hbm>>
    tpu.wait_indirect_dma semaphore(%arg14 : memref<!tpu.dma_semaphore, #tpu.memory_space<semaphore_mem>>) src(%dma_wait3A_48 : memref<10000x128xf32, #tpu.memory_space<hbm>>) dst(%arg10 : memref<80x128xf32, #tpu.memory_space<vmem>>)
    %dma_wait3A_49 = arith.constant 0 : i32
    %dma_wait3A_50 = tpu.memref_slice %arg4[%dma_wait3A_49] : memref<320000xi32, #tpu.memory_space<hbm>> -> memref<80xi32, #tpu.memory_space<hbm>>
    %dma_wait3A_51 = arith.constant 0 : i32
    %dma_wait3A_52 = tpu.memref_slice %arg4[%dma_wait3A_51] : memref<320000xi32, #tpu.memory_space<hbm>> -> memref<80xi32, #tpu.memory_space<hbm>>
    tpu.wait_dma2 semaphore(%arg17 : memref<!tpu.dma_semaphore, #tpu.memory_space<semaphore_mem>>) src(%dma_wait3A_52 : memref<80xi32, #tpu.memory_space<hbm>>) dst(%arg7 : memref<80xi32, #tpu.memory_space<vmem>>)
    "tpu.region"() ({
      %run_scoped3A = tpu.sem_alloc : memref<!tpu.dma_semaphore, #tpu.memory_space<semaphore_mem>>
      %dma_start3A_67 = arith.constant 0 : i32
      %dma_start3A_68 = arith.constant 0 : i32
      %dma_start3A_69 = tpu.memref_slice %arg13[%dma_start3A_67, %dma_start3A_68] : memref<10240x128xf32, #tpu.memory_space<vmem_shared>> -> memref<10240x128xf32, #tpu.memory_space<vmem_shared>>
      tpu.enqueue_indirect_dma source(%arg10 : memref<80x128xf32, #tpu.memory_space<vmem>>) target(%dma_start3A_69 : memref<10240x128xf32, #tpu.memory_space<vmem_shared>>) offsets(%arg7 : memref<80xi32, #tpu.memory_space<vmem>>) semaphore(%run_scoped3A : memref<!tpu.dma_semaphore, #tpu.memory_space<semaphore_mem>>) {add = true}
      %dma_wait3A_70 = arith.constant 0 : i32
      %dma_wait3A_71 = arith.constant 0 : i32
      %dma_wait3A_72 = tpu.memref_slice %arg13[%dma_wait3A_70, %dma_wait3A_71] : memref<10240x128xf32, #tpu.memory_space<vmem_shared>> -> memref<10240x128xf32, #tpu.memory_space<vmem_shared>>
      tpu.wait_indirect_dma semaphore(%run_scoped3A : memref<!tpu.dma_semaphore, #tpu.memory_space<semaphore_mem>>) src(%arg10 : memref<80x128xf32, #tpu.memory_space<vmem>>) dst(%dma_wait3A_72 : memref<10240x128xf32, #tpu.memory_space<vmem_shared>>)
      tpu.yield
    }) : () -> ()
    %dma_wait3A_53 = arith.constant 0 : i32
    %dma_wait3A_54 = tpu.memref_slice %arg6[%dma_wait3A_53] : memref<10000xi32, #tpu.memory_space<vmem>> -> memref<80xi32, #tpu.memory_space<vmem>>
    %dma_wait3A_55 = arith.constant 0 : i32
    %dma_wait3A_56 = arith.constant 0 : i32
    %dma_wait3A_57 = tpu.memref_slice %arg2[%dma_wait3A_55, %dma_wait3A_56] : memref<10000x128xf32, #tpu.memory_space<hbm>> -> memref<10000x128xf32, #tpu.memory_space<hbm>>
    tpu.wait_indirect_dma semaphore(%arg15 : memref<!tpu.dma_semaphore, #tpu.memory_space<semaphore_mem>>) src(%dma_wait3A_57 : memref<10000x128xf32, #tpu.memory_space<hbm>>) dst(%arg11 : memref<80x128xf32, #tpu.memory_space<vmem>>)
    %dma_wait3A_58 = arith.constant 0 : i32
    %dma_wait3A_59 = tpu.memref_slice %arg4[%dma_wait3A_58] : memref<320000xi32, #tpu.memory_space<hbm>> -> memref<80xi32, #tpu.memory_space<hbm>>
    %dma_wait3A_60 = arith.constant 0 : i32
    %dma_wait3A_61 = tpu.memref_slice %arg4[%dma_wait3A_60] : memref<320000xi32, #tpu.memory_space<hbm>> -> memref<80xi32, #tpu.memory_space<hbm>>
    tpu.wait_dma2 semaphore(%arg18 : memref<!tpu.dma_semaphore, #tpu.memory_space<semaphore_mem>>) src(%dma_wait3A_61 : memref<80xi32, #tpu.memory_space<hbm>>) dst(%arg8 : memref<80xi32, #tpu.memory_space<vmem>>)
    "tpu.region"() ({
      %run_scoped3A = tpu.sem_alloc : memref<!tpu.dma_semaphore, #tpu.memory_space<semaphore_mem>>
      %dma_start3A_67 = arith.constant 0 : i32
      %dma_start3A_68 = arith.constant 0 : i32
      %dma_start3A_69 = tpu.memref_slice %arg13[%dma_start3A_67, %dma_start3A_68] : memref<10240x128xf32, #tpu.memory_space<vmem_shared>> -> memref<10240x128xf32, #tpu.memory_space<vmem_shared>>
      tpu.enqueue_indirect_dma source(%arg11 : memref<80x128xf32, #tpu.memory_space<vmem>>) target(%dma_start3A_69 : memref<10240x128xf32, #tpu.memory_space<vmem_shared>>) offsets(%arg8 : memref<80xi32, #tpu.memory_space<vmem>>) semaphore(%run_scoped3A : memref<!tpu.dma_semaphore, #tpu.memory_space<semaphore_mem>>) {add = true}
      %dma_wait3A_70 = arith.constant 0 : i32
      %dma_wait3A_71 = arith.constant 0 : i32
      %dma_wait3A_72 = tpu.memref_slice %arg13[%dma_wait3A_70, %dma_wait3A_71] : memref<10240x128xf32, #tpu.memory_space<vmem_shared>> -> memref<10240x128xf32, #tpu.memory_space<vmem_shared>>
      tpu.wait_indirect_dma semaphore(%run_scoped3A : memref<!tpu.dma_semaphore, #tpu.memory_space<semaphore_mem>>) src(%arg11 : memref<80x128xf32, #tpu.memory_space<vmem>>) dst(%dma_wait3A_72 : memref<10240x128xf32, #tpu.memory_space<vmem_shared>>)
      tpu.yield
    }) : () -> ()
    %barrier3A_62 = arith.constant 0 : index
    tpu.barrier barrier_id(%barrier3A_62)
    %mul3A_63 = arith.constant 640 : i32
    %mul3A_64 = arith.muli %arg1, %mul3A_63 : i32
    %mul3A_65 = arith.constant 640 : i32
    %mul3A_66 = arith.muli %arg1, %mul3A_65 : i32
    "tpu.region"() ({
      %run_scoped3A = tpu.sem_alloc : memref<!tpu.dma_semaphore, #tpu.memory_space<semaphore_mem>>
      %dma_start3A_67 = arith.constant 0 : i32
      %dma_start3A_68 = tpu.memref_slice %arg5[%arg0, %mul3A_66, %dma_start3A_67] : memref<2x10240x128xf32, #tpu.memory_space<hbm>> -> memref<1x640x128xf32, #tpu.memory_space<hbm>>
      %dma_start3A_69 = tpu.memref_squeeze %dma_start3A_68 : memref<1x640x128xf32, #tpu.memory_space<hbm>> -> memref<640x128xf32, #tpu.memory_space<hbm>>
      %dma_start3A_70 = arith.constant 0 : i32
      %dma_start3A_71 = tpu.memref_slice %arg13[%mul3A_64, %dma_start3A_70] : memref<10240x128xf32, #tpu.memory_space<vmem_shared>> -> memref<640x128xf32, #tpu.memory_space<vmem_shared>>
      tpu.enqueue_dma source(%dma_start3A_71 : memref<640x128xf32, #tpu.memory_space<vmem_shared>>) target(%dma_start3A_69 : memref<640x128xf32, #tpu.memory_space<hbm>>) target_semaphore(%run_scoped3A : memref<!tpu.dma_semaphore, #tpu.memory_space<semaphore_mem>>)
      %dma_wait3A_72 = arith.constant 0 : i32
      %dma_wait3A_73 = tpu.memref_slice %arg5[%arg0, %mul3A_66, %dma_wait3A_72] : memref<2x10240x128xf32, #tpu.memory_space<hbm>> -> memref<1x640x128xf32, #tpu.memory_space<hbm>>
      %dma_wait3A_74 = tpu.memref_squeeze %dma_wait3A_73 : memref<1x640x128xf32, #tpu.memory_space<hbm>> -> memref<640x128xf32, #tpu.memory_space<hbm>>
      %dma_wait3A_75 = arith.constant 0 : i32
      %dma_wait3A_76 = tpu.memref_slice %arg13[%mul3A_64, %dma_wait3A_75] : memref<10240x128xf32, #tpu.memory_space<vmem_shared>> -> memref<640x128xf32, #tpu.memory_space<vmem_shared>>
      tpu.wait_dma2 semaphore(%run_scoped3A : memref<!tpu.dma_semaphore, #tpu.memory_space<semaphore_mem>>) src(%dma_wait3A_76 : memref<640x128xf32, #tpu.memory_space<vmem_shared>>) dst(%dma_wait3A_74 : memref<640x128xf32, #tpu.memory_space<hbm>>)
      tpu.yield
    }) : () -> ()
    return
  }
}

#map = affine_map<(d0, d1) -> (0, 0)>
#map1 = affine_map<(d0, d1) -> (0)>
#map2 = affine_map<(d0, d1) -> (0, 0, 0)>
module attributes {stable_mosaic.version = 14 : i64} {
  func.func @_sc_message(%arg0: i32, %arg1: i32, %arg2: memref<10000x128xf32, #tpu.memory_space<hbm>>, %arg3: memref<320000xi32, #tpu.memory_space<hbm>>, %arg4: memref<320000xi32, #tpu.memory_space<hbm>>, %arg5: memref<2x10240x128xf32, #tpu.memory_space<hbm>>, %arg6: memref<10000xi32, #tpu.memory_space<vmem>>, %arg7: memref<80xi32, #tpu.memory_space<vmem>>, %arg8: memref<80xi32, #tpu.memory_space<vmem>>, %arg9: memref<80xi32, #tpu.memory_space<vmem>>, %arg10: memref<80x128xf32, #tpu.memory_space<vmem>>, %arg11: memref<80x128xf32, #tpu.memory_space<vmem>>, %arg12: memref<80x128xf32, #tpu.memory_space<vmem>>, %arg13: memref<10240x128xf32, #tpu.memory_space<vmem_shared>>, %arg14: memref<!tpu.dma_semaphore, #tpu.memory_space<semaphore_mem>>, %arg15: memref<!tpu.dma_semaphore, #tpu.memory_space<semaphore_mem>>, %arg16: memref<!tpu.dma_semaphore, #tpu.memory_space<semaphore_mem>>, %arg17: memref<!tpu.dma_semaphore, #tpu.memory_space<semaphore_mem>>, %arg18: memref<!tpu.dma_semaphore, #tpu.memory_space<semaphore_mem>>, %arg19: memref<!tpu.dma_semaphore, #tpu.memory_space<semaphore_mem>>) attributes {dimension_semantics = [#tpu.dimension_semantics<core_parallel>, #tpu.dimension_semantics<subcore_parallel>], iteration_bounds = array<i64: 2, 16>, scalar_prefetch = 0 : i64, scratch_operands = 14 : i64, tpu.core_type = #tpu.core_type<sc_vector_subcore>, window_params = [{transform_indices = #map}, {transform_indices = #map1}, {transform_indices = #map1}, {transform_indices = #map2}]} {
    %mul3A = arith.constant 2 : i32
    %mul3A_0 = arith.muli %arg1, %mul3A : i32
    %add3A = arith.addi %mul3A_0, %arg0 : i32
    %mul3A_1 = arith.constant 10000 : i32
    %mul3A_2 = arith.muli %add3A, %mul3A_1 : i32
    %broadcast_in_dim3A = arith.constant 0.000000e+00 : f32
    %broadcast_in_dim3A_3 = vector.broadcast %broadcast_in_dim3A : f32 to vector<16xf32>
    "tpu.region"() ({
      %run_scoped3A = tpu.sem_alloc : memref<!tpu.dma_semaphore, #tpu.memory_space<semaphore_mem>>
      %dma_start3A_67 = tpu.memref_slice %arg3[%mul3A_2] : memref<320000xi32, #tpu.memory_space<hbm>> -> memref<10000xi32, #tpu.memory_space<hbm>>
      %dma_start3A_68 = tpu.memref_slice %arg3[%mul3A_2] : memref<320000xi32, #tpu.memory_space<hbm>> -> memref<10000xi32, #tpu.memory_space<hbm>>
      tpu.enqueue_dma source(%dma_start3A_68 : memref<10000xi32, #tpu.memory_space<hbm>>) target(%arg6 : memref<10000xi32, #tpu.memory_space<vmem>>) target_semaphore(%run_scoped3A : memref<!tpu.dma_semaphore, #tpu.memory_space<semaphore_mem>>)
      %dma_wait3A_69 = tpu.memref_slice %arg3[%mul3A_2] : memref<320000xi32, #tpu.memory_space<hbm>> -> memref<10000xi32, #tpu.memory_space<hbm>>
      %dma_wait3A_70 = tpu.memref_slice %arg3[%mul3A_2] : memref<320000xi32, #tpu.memory_space<hbm>> -> memref<10000xi32, #tpu.memory_space<hbm>>
      tpu.wait_dma2 semaphore(%run_scoped3A : memref<!tpu.dma_semaphore, #tpu.memory_space<semaphore_mem>>) src(%dma_wait3A_70 : memref<10000xi32, #tpu.memory_space<hbm>>) dst(%arg6 : memref<10000xi32, #tpu.memory_space<vmem>>)
      tpu.yield
    }) : () -> ()
    %add3A_4 = arith.constant 0 : i32
    %add3A_5 = arith.addi %mul3A_2, %add3A_4 : i32
    %dma_start3A = tpu.memref_slice %arg4[%add3A_5] : memref<320000xi32, #tpu.memory_space<hbm>> -> memref<80xi32, #tpu.memory_space<hbm>>
    %dma_start3A_6 = tpu.memref_slice %arg4[%add3A_5] : memref<320000xi32, #tpu.memory_space<hbm>> -> memref<80xi32, #tpu.memory_space<hbm>>
    tpu.enqueue_dma source(%dma_start3A_6 : memref<80xi32, #tpu.memory_space<hbm>>) target(%arg7 : memref<80xi32, #tpu.memory_space<vmem>>) target_semaphore(%arg17 : memref<!tpu.dma_semaphore, #tpu.memory_space<semaphore_mem>>)
    %add3A_7 = arith.constant 80 : i32
    %add3A_8 = arith.addi %mul3A_2, %add3A_7 : i32
    %dma_start3A_9 = tpu.memref_slice %arg4[%add3A_8] : memref<320000xi32, #tpu.memory_space<hbm>> -> memref<80xi32, #tpu.memory_space<hbm>>
    %dma_start3A_10 = tpu.memref_slice %arg4[%add3A_8] : memref<320000xi32, #tpu.memory_space<hbm>> -> memref<80xi32, #tpu.memory_space<hbm>>
    tpu.enqueue_dma source(%dma_start3A_10 : memref<80xi32, #tpu.memory_space<hbm>>) target(%arg8 : memref<80xi32, #tpu.memory_space<vmem>>) target_semaphore(%arg18 : memref<!tpu.dma_semaphore, #tpu.memory_space<semaphore_mem>>)
    %add3A_11 = arith.constant 160 : i32
    %add3A_12 = arith.addi %mul3A_2, %add3A_11 : i32
    %dma_start3A_13 = tpu.memref_slice %arg4[%add3A_12] : memref<320000xi32, #tpu.memory_space<hbm>> -> memref<80xi32, #tpu.memory_space<hbm>>
    %dma_start3A_14 = tpu.memref_slice %arg4[%add3A_12] : memref<320000xi32, #tpu.memory_space<hbm>> -> memref<80xi32, #tpu.memory_space<hbm>>
    tpu.enqueue_dma source(%dma_start3A_14 : memref<80xi32, #tpu.memory_space<hbm>>) target(%arg9 : memref<80xi32, #tpu.memory_space<vmem>>) target_semaphore(%arg19 : memref<!tpu.dma_semaphore, #tpu.memory_space<semaphore_mem>>)
    %scan3A = arith.constant 0 : i32
    %scan3A_15 = arith.constant 0 : i32
    %scan3A_16 = arith.constant 80 : i32
    %scan3A_17 = arith.addi %scan3A_15, %scan3A_16 : i32
    %scan3A_18 = arith.constant 1 : i32
    %scan3A_19 = scf.for %scan3A_67 = %scan3A_15 to %scan3A_17 step %scan3A_18 iter_args(%scan3A_68 = %scan3A) -> (i32)  : i32 {
      %scan3A_69 = arith.constant 0 : i32
      %scan3A_70 = arith.constant 0 : i32
      %scan3A_71 = arith.constant 8 : i32
      %scan3A_72 = arith.addi %scan3A_70, %scan3A_71 : i32
      %scan3A_73 = arith.constant 1 : i32
      %scan3A_74 = scf.for %scan3A_77 = %scan3A_70 to %scan3A_72 step %scan3A_73 iter_args(%scan3A_78 = %scan3A_69) -> (i32)  : i32 {
        %mul3A_79 = arith.constant 16 : i32
        %mul3A_80 = arith.muli %scan3A_77, %mul3A_79 : i32
        %swap3A = arith.index_cast %scan3A_67 : i32 to index
        %swap3A_81 = arith.index_cast %mul3A_80 : i32 to index
        %swap3A_82 = tpu.vector_load %arg10[%swap3A, %swap3A_81] {strides = array<i32>} : memref<80x128xf32, #tpu.memory_space<vmem>>, vector<16xf32>,
        tpu.vector_store %arg10[%swap3A, %swap3A_81], %broadcast_in_dim3A_3 {strides = array<i32>} : memref<80x128xf32, #tpu.memory_space<vmem>>, vector<16xf32>,
        %scan3A_83 = arith.constant 0 : i32
        scf.yield %scan3A_83 : i32
      }
      %scan3A_75 = arith.constant 8 : i32
      %scan3A_76 = arith.constant 0 : i32
      scf.yield %scan3A_76 : i32
    }
    %scan3A_20 = arith.constant 80 : i32
    %scan3A_21 = arith.constant 0 : i32
    %scan3A_22 = arith.constant 0 : i32
    %scan3A_23 = arith.constant 8 : i32
    %scan3A_24 = arith.addi %scan3A_22, %scan3A_23 : i32
    %scan3A_25 = arith.constant 1 : i32
    %scan3A_26 = scf.for %scan3A_67 = %scan3A_22 to %scan3A_24 step %scan3A_25 iter_args(%scan3A_68 = %scan3A_21) -> (i32)  : i32 {
      %mul3A_69 = arith.constant 640 : i32
      %mul3A_70 = arith.muli %arg1, %mul3A_69 : i32
      %mul3A_71 = arith.constant 80 : i32
      %mul3A_72 = arith.muli %scan3A_67, %mul3A_71 : i32
      %add3A_73 = arith.addi %mul3A_70, %mul3A_72 : i32
      "tpu.region"() ({
        %run_scoped3A = tpu.sem_alloc : memref<!tpu.dma_semaphore, #tpu.memory_space<semaphore_mem>>
        %dma_start3A_75 = arith.constant 0 : i32
        %dma_start3A_76 = tpu.memref_slice %arg13[%add3A_73, %dma_start3A_75] : memref<10240x128xf32, #tpu.memory_space<vmem_shared>> -> memref<80x128xf32, #tpu.memory_space<vmem_shared>>
        %dma_start3A_77 = arith.constant 0 : i32
        %dma_start3A_78 = tpu.memref_slice %arg13[%add3A_73, %dma_start3A_77] : memref<10240x128xf32, #tpu.memory_space<vmem_shared>> -> memref<80x128xf32, #tpu.memory_space<vmem_shared>>
        tpu.enqueue_dma source(%arg10 : memref<80x128xf32, #tpu.memory_space<vmem>>) target(%dma_start3A_78 : memref<80x128xf32, #tpu.memory_space<vmem_shared>>) target_semaphore(%run_scoped3A : memref<!tpu.dma_semaphore, #tpu.memory_space<semaphore_mem>>)
        %dma_wait3A_79 = arith.constant 0 : i32
        %dma_wait3A_80 = tpu.memref_slice %arg13[%add3A_73, %dma_wait3A_79] : memref<10240x128xf32, #tpu.memory_space<vmem_shared>> -> memref<80x128xf32, #tpu.memory_space<vmem_shared>>
        %dma_wait3A_81 = arith.constant 0 : i32
        %dma_wait3A_82 = tpu.memref_slice %arg13[%add3A_73, %dma_wait3A_81] : memref<10240x128xf32, #tpu.memory_space<vmem_shared>> -> memref<80x128xf32, #tpu.memory_space<vmem_shared>>
        tpu.wait_dma2 semaphore(%run_scoped3A : memref<!tpu.dma_semaphore, #tpu.memory_space<semaphore_mem>>) src(%arg10 : memref<80x128xf32, #tpu.memory_space<vmem>>) dst(%dma_wait3A_82 : memref<80x128xf32, #tpu.memory_space<vmem_shared>>)
        tpu.yield
      }) : () -> ()
      %scan3A_74 = arith.constant 0 : i32
      scf.yield %scan3A_74 : i32
    }
    %scan3A_27 = arith.constant 8 : i32
    %barrier3A = arith.constant 0 : index
    tpu.barrier barrier_id(%barrier3A)
    %dma_start3A_28 = arith.constant 0 : i32
    %dma_start3A_29 = tpu.memref_slice %arg6[%dma_start3A_28] : memref<10000xi32, #tpu.memory_space<vmem>> -> memref<80xi32, #tpu.memory_space<vmem>>
    %dma_start3A_30 = arith.constant 0 : i32
    %dma_start3A_31 = arith.constant 0 : i32
    %dma_start3A_32 = tpu.memref_slice %arg2[%dma_start3A_30, %dma_start3A_31] : memref<10000x128xf32, #tpu.memory_space<hbm>> -> memref<10000x128xf32, #tpu.memory_space<hbm>>
    tpu.enqueue_indirect_dma source(%dma_start3A_32 : memref<10000x128xf32, #tpu.memory_space<hbm>>) target(%arg10 : memref<80x128xf32, #tpu.memory_space<vmem>>) offsets(%dma_start3A_29 : memref<80xi32, #tpu.memory_space<vmem>>) semaphore(%arg14 : memref<!tpu.dma_semaphore, #tpu.memory_space<semaphore_mem>>)
    %dma_start3A_33 = arith.constant 80 : i32
    %dma_start3A_34 = tpu.memref_slice %arg6[%dma_start3A_33] : memref<10000xi32, #tpu.memory_space<vmem>> -> memref<80xi32, #tpu.memory_space<vmem>>
    %dma_start3A_35 = arith.constant 0 : i32
    %dma_start3A_36 = arith.constant 0 : i32
    %dma_start3A_37 = tpu.memref_slice %arg2[%dma_start3A_35, %dma_start3A_36] : memref<10000x128xf32, #tpu.memory_space<hbm>> -> memref<10000x128xf32, #tpu.memory_space<hbm>>
    tpu.enqueue_indirect_dma source(%dma_start3A_37 : memref<10000x128xf32, #tpu.memory_space<hbm>>) target(%arg11 : memref<80x128xf32, #tpu.memory_space<vmem>>) offsets(%dma_start3A_34 : memref<80xi32, #tpu.memory_space<vmem>>) semaphore(%arg15 : memref<!tpu.dma_semaphore, #tpu.memory_space<semaphore_mem>>)
    %scan3A_38 = arith.constant 0 : i32
    %scan3A_39 = arith.constant 0 : i32
    %scan3A_40 = arith.constant 41 : i32
    %scan3A_41 = arith.addi %scan3A_39, %scan3A_40 : i32
    %scan3A_42 = arith.constant 1 : i32
    %scan3A_43 = scf.for %scan3A_67 = %scan3A_39 to %scan3A_41 step %scan3A_42 iter_args(%scan3A_68 = %scan3A_38) -> (i32)  : i32 {
      %mul3A_69 = arith.constant 3 : i32
      %mul3A_70 = arith.muli %mul3A_69, %scan3A_67 : i32
      %dma_wait3A_71 = arith.constant 0 : i32
      %dma_wait3A_72 = tpu.memref_slice %arg6[%dma_wait3A_71] : memref<10000xi32, #tpu.memory_space<vmem>> -> memref<80xi32, #tpu.memory_space<vmem>>
      %dma_wait3A_73 = arith.constant 0 : i32
      %dma_wait3A_74 = arith.constant 0 : i32
      %dma_wait3A_75 = tpu.memref_slice %arg2[%dma_wait3A_73, %dma_wait3A_74] : memref<10000x128xf32, #tpu.memory_space<hbm>> -> memref<10000x128xf32, #tpu.memory_space<hbm>>
      tpu.wait_indirect_dma semaphore(%arg14 : memref<!tpu.dma_semaphore, #tpu.memory_space<semaphore_mem>>) src(%dma_wait3A_75 : memref<10000x128xf32, #tpu.memory_space<hbm>>) dst(%arg10 : memref<80x128xf32, #tpu.memory_space<vmem>>)
      %add3A_76 = arith.constant 2 : i32
      %add3A_77 = arith.addi %mul3A_70, %add3A_76 : i32
      %mul3A_78 = arith.constant 80 : i32
      %mul3A_79 = arith.muli %add3A_77, %mul3A_78 : i32
      %dma_start3A_80 = tpu.memref_slice %arg6[%mul3A_79] : memref<10000xi32, #tpu.memory_space<vmem>> -> memref<80xi32, #tpu.memory_space<vmem>>
      %dma_start3A_81 = arith.constant 0 : i32
      %dma_start3A_82 = arith.constant 0 : i32
      %dma_start3A_83 = tpu.memref_slice %arg2[%dma_start3A_81, %dma_start3A_82] : memref<10000x128xf32, #tpu.memory_space<hbm>> -> memref<10000x128xf32, #tpu.memory_space<hbm>>
      tpu.enqueue_indirect_dma source(%dma_start3A_83 : memref<10000x128xf32, #tpu.memory_space<hbm>>) target(%arg12 : memref<80x128xf32, #tpu.memory_space<vmem>>) offsets(%dma_start3A_80 : memref<80xi32, #tpu.memory_space<vmem>>) semaphore(%arg16 : memref<!tpu.dma_semaphore, #tpu.memory_space<semaphore_mem>>)
      %dma_wait3A_84 = arith.constant 0 : i32
      %dma_wait3A_85 = tpu.memref_slice %arg4[%dma_wait3A_84] : memref<320000xi32, #tpu.memory_space<hbm>> -> memref<80xi32, #tpu.memory_space<hbm>>
      %dma_wait3A_86 = arith.constant 0 : i32
      %dma_wait3A_87 = tpu.memref_slice %arg4[%dma_wait3A_86] : memref<320000xi32, #tpu.memory_space<hbm>> -> memref<80xi32, #tpu.memory_space<hbm>>
      tpu.wait_dma2 semaphore(%arg17 : memref<!tpu.dma_semaphore, #tpu.memory_space<semaphore_mem>>) src(%dma_wait3A_87 : memref<80xi32, #tpu.memory_space<hbm>>) dst(%arg7 : memref<80xi32, #tpu.memory_space<vmem>>)
      "tpu.region"() ({
        %run_scoped3A = tpu.sem_alloc : memref<!tpu.dma_semaphore, #tpu.memory_space<semaphore_mem>>
        %dma_start3A_145 = arith.constant 0 : i32
        %dma_start3A_146 = arith.constant 0 : i32
        %dma_start3A_147 = tpu.memref_slice %arg13[%dma_start3A_145, %dma_start3A_146] : memref<10240x128xf32, #tpu.memory_space<vmem_shared>> -> memref<10240x128xf32, #tpu.memory_space<vmem_shared>>
        tpu.enqueue_indirect_dma source(%arg10 : memref<80x128xf32, #tpu.memory_space<vmem>>) target(%dma_start3A_147 : memref<10240x128xf32, #tpu.memory_space<vmem_shared>>) offsets(%arg7 : memref<80xi32, #tpu.memory_space<vmem>>) semaphore(%run_scoped3A : memref<!tpu.dma_semaphore, #tpu.memory_space<semaphore_mem>>) {add = true}
        %dma_wait3A_148 = arith.constant 0 : i32
        %dma_wait3A_149 = arith.constant 0 : i32
        %dma_wait3A_150 = tpu.memref_slice %arg13[%dma_wait3A_148, %dma_wait3A_149] : memref<10240x128xf32, #tpu.memory_space<vmem_shared>> -> memref<10240x128xf32, #tpu.memory_space<vmem_shared>>
        tpu.wait_indirect_dma semaphore(%run_scoped3A : memref<!tpu.dma_semaphore, #tpu.memory_space<semaphore_mem>>) src(%arg10 : memref<80x128xf32, #tpu.memory_space<vmem>>) dst(%dma_wait3A_150 : memref<10240x128xf32, #tpu.memory_space<vmem_shared>>)
        tpu.yield
      }) : () -> ()
      %add3A_88 = arith.constant 3 : i32
      %add3A_89 = arith.addi %mul3A_70, %add3A_88 : i32
      %lt3A = arith.constant 125 : i32
      %lt3A_90 = arith.cmpi slt, %add3A_89, %lt3A : i32
      %convert_element_type3A = arith.extui %lt3A_90 : i1 to i32
      %cond3A = arith.constant 0 : i32
      %cond3A_91 = arith.cmpi ne, %convert_element_type3A, %cond3A : i32
      scf.if %cond3A_91 {
        %add3A_145 = arith.constant 3 : i32
        %add3A_146 = arith.addi %mul3A_70, %add3A_145 : i32
        %mul3A_147 = arith.constant 80 : i32
        %mul3A_148 = arith.muli %add3A_146, %mul3A_147 : i32
        %add3A_149 = arith.addi %mul3A_2, %mul3A_148 : i32
        %dma_start3A_150 = tpu.memref_slice %arg4[%add3A_149] : memref<320000xi32, #tpu.memory_space<hbm>> -> memref<80xi32, #tpu.memory_space<hbm>>
        %dma_start3A_151 = tpu.memref_slice %arg4[%add3A_149] : memref<320000xi32, #tpu.memory_space<hbm>> -> memref<80xi32, #tpu.memory_space<hbm>>
        tpu.enqueue_dma source(%dma_start3A_151 : memref<80xi32, #tpu.memory_space<hbm>>) target(%arg7 : memref<80xi32, #tpu.memory_space<vmem>>) target_semaphore(%arg17 : memref<!tpu.dma_semaphore, #tpu.memory_space<semaphore_mem>>)
      } else {
      }
      %add3A_92 = arith.constant 1 : i32
      %add3A_93 = arith.addi %mul3A_70, %add3A_92 : i32
      %dma_wait3A_94 = arith.constant 0 : i32
      %dma_wait3A_95 = tpu.memref_slice %arg6[%dma_wait3A_94] : memref<10000xi32, #tpu.memory_space<vmem>> -> memref<80xi32, #tpu.memory_space<vmem>>
      %dma_wait3A_96 = arith.constant 0 : i32
      %dma_wait3A_97 = arith.constant 0 : i32
      %dma_wait3A_98 = tpu.memref_slice %arg2[%dma_wait3A_96, %dma_wait3A_97] : memref<10000x128xf32, #tpu.memory_space<hbm>> -> memref<10000x128xf32, #tpu.memory_space<hbm>>
      tpu.wait_indirect_dma semaphore(%arg15 : memref<!tpu.dma_semaphore, #tpu.memory_space<semaphore_mem>>) src(%dma_wait3A_98 : memref<10000x128xf32, #tpu.memory_space<hbm>>) dst(%arg11 : memref<80x128xf32, #tpu.memory_space<vmem>>)
      %add3A_99 = arith.constant 2 : i32
      %add3A_100 = arith.addi %add3A_93, %add3A_99 : i32
      %mul3A_101 = arith.constant 80 : i32
      %mul3A_102 = arith.muli %add3A_100, %mul3A_101 : i32
      %dma_start3A_103 = tpu.memref_slice %arg6[%mul3A_102] : memref<10000xi32, #tpu.memory_space<vmem>> -> memref<80xi32, #tpu.memory_space<vmem>>
      %dma_start3A_104 = arith.constant 0 : i32
      %dma_start3A_105 = arith.constant 0 : i32
      %dma_start3A_106 = tpu.memref_slice %arg2[%dma_start3A_104, %dma_start3A_105] : memref<10000x128xf32, #tpu.memory_space<hbm>> -> memref<10000x128xf32, #tpu.memory_space<hbm>>
      tpu.enqueue_indirect_dma source(%dma_start3A_106 : memref<10000x128xf32, #tpu.memory_space<hbm>>) target(%arg10 : memref<80x128xf32, #tpu.memory_space<vmem>>) offsets(%dma_start3A_103 : memref<80xi32, #tpu.memory_space<vmem>>) semaphore(%arg14 : memref<!tpu.dma_semaphore, #tpu.memory_space<semaphore_mem>>)
      %dma_wait3A_107 = arith.constant 0 : i32
      %dma_wait3A_108 = tpu.memref_slice %arg4[%dma_wait3A_107] : memref<320000xi32, #tpu.memory_space<hbm>> -> memref<80xi32, #tpu.memory_space<hbm>>
      %dma_wait3A_109 = arith.constant 0 : i32
      %dma_wait3A_110 = tpu.memref_slice %arg4[%dma_wait3A_109] : memref<320000xi32, #tpu.memory_space<hbm>> -> memref<80xi32, #tpu.memory_space<hbm>>
      tpu.wait_dma2 semaphore(%arg18 : memref<!tpu.dma_semaphore, #tpu.memory_space<semaphore_mem>>) src(%dma_wait3A_110 : memref<80xi32, #tpu.memory_space<hbm>>) dst(%arg8 : memref<80xi32, #tpu.memory_space<vmem>>)
      "tpu.region"() ({
        %run_scoped3A = tpu.sem_alloc : memref<!tpu.dma_semaphore, #tpu.memory_space<semaphore_mem>>
        %dma_start3A_145 = arith.constant 0 : i32
        %dma_start3A_146 = arith.constant 0 : i32
        %dma_start3A_147 = tpu.memref_slice %arg13[%dma_start3A_145, %dma_start3A_146] : memref<10240x128xf32, #tpu.memory_space<vmem_shared>> -> memref<10240x128xf32, #tpu.memory_space<vmem_shared>>
        tpu.enqueue_indirect_dma source(%arg11 : memref<80x128xf32, #tpu.memory_space<vmem>>) target(%dma_start3A_147 : memref<10240x128xf32, #tpu.memory_space<vmem_shared>>) offsets(%arg8 : memref<80xi32, #tpu.memory_space<vmem>>) semaphore(%run_scoped3A : memref<!tpu.dma_semaphore, #tpu.memory_space<semaphore_mem>>) {add = true}
        %dma_wait3A_148 = arith.constant 0 : i32
        %dma_wait3A_149 = arith.constant 0 : i32
        %dma_wait3A_150 = tpu.memref_slice %arg13[%dma_wait3A_148, %dma_wait3A_149] : memref<10240x128xf32, #tpu.memory_space<vmem_shared>> -> memref<10240x128xf32, #tpu.memory_space<vmem_shared>>
        tpu.wait_indirect_dma semaphore(%run_scoped3A : memref<!tpu.dma_semaphore, #tpu.memory_space<semaphore_mem>>) src(%arg11 : memref<80x128xf32, #tpu.memory_space<vmem>>) dst(%dma_wait3A_150 : memref<10240x128xf32, #tpu.memory_space<vmem_shared>>)
        tpu.yield
      }) : () -> ()
      %add3A_111 = arith.constant 3 : i32
      %add3A_112 = arith.addi %add3A_93, %add3A_111 : i32
      %lt3A_113 = arith.constant 125 : i32
      %lt3A_114 = arith.cmpi slt, %add3A_112, %lt3A_113 : i32
      %convert_element_type3A_115 = arith.extui %lt3A_114 : i1 to i32
      %cond3A_116 = arith.constant 0 : i32
      %cond3A_117 = arith.cmpi ne, %convert_element_type3A_115, %cond3A_116 : i32
      scf.if %cond3A_117 {
        %add3A_145 = arith.constant 3 : i32
        %add3A_146 = arith.addi %add3A_93, %add3A_145 : i32
        %mul3A_147 = arith.constant 80 : i32
        %mul3A_148 = arith.muli %add3A_146, %mul3A_147 : i32
        %add3A_149 = arith.addi %mul3A_2, %mul3A_148 : i32
        %dma_start3A_150 = tpu.memref_slice %arg4[%add3A_149] : memref<320000xi32, #tpu.memory_space<hbm>> -> memref<80xi32, #tpu.memory_space<hbm>>
        %dma_start3A_151 = tpu.memref_slice %arg4[%add3A_149] : memref<320000xi32, #tpu.memory_space<hbm>> -> memref<80xi32, #tpu.memory_space<hbm>>
        tpu.enqueue_dma source(%dma_start3A_151 : memref<80xi32, #tpu.memory_space<hbm>>) target(%arg8 : memref<80xi32, #tpu.memory_space<vmem>>) target_semaphore(%arg18 : memref<!tpu.dma_semaphore, #tpu.memory_space<semaphore_mem>>)
      } else {
      }
      %add3A_118 = arith.constant 2 : i32
      %add3A_119 = arith.addi %mul3A_70, %add3A_118 : i32
      %dma_wait3A_120 = arith.constant 0 : i32
      %dma_wait3A_121 = tpu.memref_slice %arg6[%dma_wait3A_120] : memref<10000xi32, #tpu.memory_space<vmem>> -> memref<80xi32, #tpu.memory_space<vmem>>
      %dma_wait3A_122 = arith.constant 0 : i32
      %dma_wait3A_123 = arith.constant 0 : i32
      %dma_wait3A_124 = tpu.memref_slice %arg2[%dma_wait3A_122, %dma_wait3A_123] : memref<10000x128xf32, #tpu.memory_space<hbm>> -> memref<10000x128xf32, #tpu.memory_space<hbm>>
      tpu.wait_indirect_dma semaphore(%arg16 : memref<!tpu.dma_semaphore, #tpu.memory_space<semaphore_mem>>) src(%dma_wait3A_124 : memref<10000x128xf32, #tpu.memory_space<hbm>>) dst(%arg12 : memref<80x128xf32, #tpu.memory_space<vmem>>)
      %add3A_125 = arith.constant 2 : i32
      %add3A_126 = arith.addi %add3A_119, %add3A_125 : i32
      %mul3A_127 = arith.constant 80 : i32
      %mul3A_128 = arith.muli %add3A_126, %mul3A_127 : i32
      %dma_start3A_129 = tpu.memref_slice %arg6[%mul3A_128] : memref<10000xi32, #tpu.memory_space<vmem>> -> memref<80xi32, #tpu.memory_space<vmem>>
      %dma_start3A_130 = arith.constant 0 : i32
      %dma_start3A_131 = arith.constant 0 : i32
      %dma_start3A_132 = tpu.memref_slice %arg2[%dma_start3A_130, %dma_start3A_131] : memref<10000x128xf32, #tpu.memory_space<hbm>> -> memref<10000x128xf32, #tpu.memory_space<hbm>>
      tpu.enqueue_indirect_dma source(%dma_start3A_132 : memref<10000x128xf32, #tpu.memory_space<hbm>>) target(%arg11 : memref<80x128xf32, #tpu.memory_space<vmem>>) offsets(%dma_start3A_129 : memref<80xi32, #tpu.memory_space<vmem>>) semaphore(%arg15 : memref<!tpu.dma_semaphore, #tpu.memory_space<semaphore_mem>>)
      %dma_wait3A_133 = arith.constant 0 : i32
      %dma_wait3A_134 = tpu.memref_slice %arg4[%dma_wait3A_133] : memref<320000xi32, #tpu.memory_space<hbm>> -> memref<80xi32, #tpu.memory_space<hbm>>
      %dma_wait3A_135 = arith.constant 0 : i32
      %dma_wait3A_136 = tpu.memref_slice %arg4[%dma_wait3A_135] : memref<320000xi32, #tpu.memory_space<hbm>> -> memref<80xi32, #tpu.memory_space<hbm>>
      tpu.wait_dma2 semaphore(%arg19 : memref<!tpu.dma_semaphore, #tpu.memory_space<semaphore_mem>>) src(%dma_wait3A_136 : memref<80xi32, #tpu.memory_space<hbm>>) dst(%arg9 : memref<80xi32, #tpu.memory_space<vmem>>)
      "tpu.region"() ({
        %run_scoped3A = tpu.sem_alloc : memref<!tpu.dma_semaphore, #tpu.memory_space<semaphore_mem>>
        %dma_start3A_145 = arith.constant 0 : i32
        %dma_start3A_146 = arith.constant 0 : i32
        %dma_start3A_147 = tpu.memref_slice %arg13[%dma_start3A_145, %dma_start3A_146] : memref<10240x128xf32, #tpu.memory_space<vmem_shared>> -> memref<10240x128xf32, #tpu.memory_space<vmem_shared>>
        tpu.enqueue_indirect_dma source(%arg12 : memref<80x128xf32, #tpu.memory_space<vmem>>) target(%dma_start3A_147 : memref<10240x128xf32, #tpu.memory_space<vmem_shared>>) offsets(%arg9 : memref<80xi32, #tpu.memory_space<vmem>>) semaphore(%run_scoped3A : memref<!tpu.dma_semaphore, #tpu.memory_space<semaphore_mem>>) {add = true}
        %dma_wait3A_148 = arith.constant 0 : i32
        %dma_wait3A_149 = arith.constant 0 : i32
        %dma_wait3A_150 = tpu.memref_slice %arg13[%dma_wait3A_148, %dma_wait3A_149] : memref<10240x128xf32, #tpu.memory_space<vmem_shared>> -> memref<10240x128xf32, #tpu.memory_space<vmem_shared>>
        tpu.wait_indirect_dma semaphore(%run_scoped3A : memref<!tpu.dma_semaphore, #tpu.memory_space<semaphore_mem>>) src(%arg12 : memref<80x128xf32, #tpu.memory_space<vmem>>) dst(%dma_wait3A_150 : memref<10240x128xf32, #tpu.memory_space<vmem_shared>>)
        tpu.yield
      }) : () -> ()
      %add3A_137 = arith.constant 3 : i32
      %add3A_138 = arith.addi %add3A_119, %add3A_137 : i32
      %lt3A_139 = arith.constant 125 : i32
      %lt3A_140 = arith.cmpi slt, %add3A_138, %lt3A_139 : i32
      %convert_element_type3A_141 = arith.extui %lt3A_140 : i1 to i32
      %cond3A_142 = arith.constant 0 : i32
      %cond3A_143 = arith.cmpi ne, %convert_element_type3A_141, %cond3A_142 : i32
      scf.if %cond3A_143 {
        %add3A_145 = arith.constant 3 : i32
        %add3A_146 = arith.addi %add3A_119, %add3A_145 : i32
        %mul3A_147 = arith.constant 80 : i32
        %mul3A_148 = arith.muli %add3A_146, %mul3A_147 : i32
        %add3A_149 = arith.addi %mul3A_2, %mul3A_148 : i32
        %dma_start3A_150 = tpu.memref_slice %arg4[%add3A_149] : memref<320000xi32, #tpu.memory_space<hbm>> -> memref<80xi32, #tpu.memory_space<hbm>>
        %dma_start3A_151 = tpu.memref_slice %arg4[%add3A_149] : memref<320000xi32, #tpu.memory_space<hbm>> -> memref<80xi32, #tpu.memory_space<hbm>>
        tpu.enqueue_dma source(%dma_start3A_151 : memref<80xi32, #tpu.memory_space<hbm>>) target(%arg9 : memref<80xi32, #tpu.memory_space<vmem>>) target_semaphore(%arg19 : memref<!tpu.dma_semaphore, #tpu.memory_space<semaphore_mem>>)
      } else {
      }
      %scan3A_144 = arith.constant 0 : i32
      scf.yield %scan3A_144 : i32
    }
    %scan3A_44 = arith.constant 41 : i32
    %dma_wait3A = arith.constant 0 : i32
    %dma_wait3A_45 = tpu.memref_slice %arg6[%dma_wait3A] : memref<10000xi32, #tpu.memory_space<vmem>> -> memref<80xi32, #tpu.memory_space<vmem>>
    %dma_wait3A_46 = arith.constant 0 : i32
    %dma_wait3A_47 = arith.constant 0 : i32
    %dma_wait3A_48 = tpu.memref_slice %arg2[%dma_wait3A_46, %dma_wait3A_47] : memref<10000x128xf32, #tpu.memory_space<hbm>> -> memref<10000x128xf32, #tpu.memory_space<hbm>>
    tpu.wait_indirect_dma semaphore(%arg14 : memref<!tpu.dma_semaphore, #tpu.memory_space<semaphore_mem>>) src(%dma_wait3A_48 : memref<10000x128xf32, #tpu.memory_space<hbm>>) dst(%arg10 : memref<80x128xf32, #tpu.memory_space<vmem>>)
    %dma_wait3A_49 = arith.constant 0 : i32
    %dma_wait3A_50 = tpu.memref_slice %arg4[%dma_wait3A_49] : memref<320000xi32, #tpu.memory_space<hbm>> -> memref<80xi32, #tpu.memory_space<hbm>>
    %dma_wait3A_51 = arith.constant 0 : i32
    %dma_wait3A_52 = tpu.memref_slice %arg4[%dma_wait3A_51] : memref<320000xi32, #tpu.memory_space<hbm>> -> memref<80xi32, #tpu.memory_space<hbm>>
    tpu.wait_dma2 semaphore(%arg17 : memref<!tpu.dma_semaphore, #tpu.memory_space<semaphore_mem>>) src(%dma_wait3A_52 : memref<80xi32, #tpu.memory_space<hbm>>) dst(%arg7 : memref<80xi32, #tpu.memory_space<vmem>>)
    "tpu.region"() ({
      %run_scoped3A = tpu.sem_alloc : memref<!tpu.dma_semaphore, #tpu.memory_space<semaphore_mem>>
      %dma_start3A_67 = arith.constant 0 : i32
      %dma_start3A_68 = arith.constant 0 : i32
      %dma_start3A_69 = tpu.memref_slice %arg13[%dma_start3A_67, %dma_start3A_68] : memref<10240x128xf32, #tpu.memory_space<vmem_shared>> -> memref<10240x128xf32, #tpu.memory_space<vmem_shared>>
      tpu.enqueue_indirect_dma source(%arg10 : memref<80x128xf32, #tpu.memory_space<vmem>>) target(%dma_start3A_69 : memref<10240x128xf32, #tpu.memory_space<vmem_shared>>) offsets(%arg7 : memref<80xi32, #tpu.memory_space<vmem>>) semaphore(%run_scoped3A : memref<!tpu.dma_semaphore, #tpu.memory_space<semaphore_mem>>) {add = true}
      %dma_wait3A_70 = arith.constant 0 : i32
      %dma_wait3A_71 = arith.constant 0 : i32
      %dma_wait3A_72 = tpu.memref_slice %arg13[%dma_wait3A_70, %dma_wait3A_71] : memref<10240x128xf32, #tpu.memory_space<vmem_shared>> -> memref<10240x128xf32, #tpu.memory_space<vmem_shared>>
      tpu.wait_indirect_dma semaphore(%run_scoped3A : memref<!tpu.dma_semaphore, #tpu.memory_space<semaphore_mem>>) src(%arg10 : memref<80x128xf32, #tpu.memory_space<vmem>>) dst(%dma_wait3A_72 : memref<10240x128xf32, #tpu.memory_space<vmem_shared>>)
      tpu.yield
    }) : () -> ()
    %dma_wait3A_53 = arith.constant 0 : i32
    %dma_wait3A_54 = tpu.memref_slice %arg6[%dma_wait3A_53] : memref<10000xi32, #tpu.memory_space<vmem>> -> memref<80xi32, #tpu.memory_space<vmem>>
    %dma_wait3A_55 = arith.constant 0 : i32
    %dma_wait3A_56 = arith.constant 0 : i32
    %dma_wait3A_57 = tpu.memref_slice %arg2[%dma_wait3A_55, %dma_wait3A_56] : memref<10000x128xf32, #tpu.memory_space<hbm>> -> memref<10000x128xf32, #tpu.memory_space<hbm>>
    tpu.wait_indirect_dma semaphore(%arg15 : memref<!tpu.dma_semaphore, #tpu.memory_space<semaphore_mem>>) src(%dma_wait3A_57 : memref<10000x128xf32, #tpu.memory_space<hbm>>) dst(%arg11 : memref<80x128xf32, #tpu.memory_space<vmem>>)
    %dma_wait3A_58 = arith.constant 0 : i32
    %dma_wait3A_59 = tpu.memref_slice %arg4[%dma_wait3A_58] : memref<320000xi32, #tpu.memory_space<hbm>> -> memref<80xi32, #tpu.memory_space<hbm>>
    %dma_wait3A_60 = arith.constant 0 : i32
    %dma_wait3A_61 = tpu.memref_slice %arg4[%dma_wait3A_60] : memref<320000xi32, #tpu.memory_space<hbm>> -> memref<80xi32, #tpu.memory_space<hbm>>
    tpu.wait_dma2 semaphore(%arg18 : memref<!tpu.dma_semaphore, #tpu.memory_space<semaphore_mem>>) src(%dma_wait3A_61 : memref<80xi32, #tpu.memory_space<hbm>>) dst(%arg8 : memref<80xi32, #tpu.memory_space<vmem>>)
    "tpu.region"() ({
      %run_scoped3A = tpu.sem_alloc : memref<!tpu.dma_semaphore, #tpu.memory_space<semaphore_mem>>
      %dma_start3A_67 = arith.constant 0 : i32
      %dma_start3A_68 = arith.constant 0 : i32
      %dma_start3A_69 = tpu.memref_slice %arg13[%dma_start3A_67, %dma_start3A_68] : memref<10240x128xf32, #tpu.memory_space<vmem_shared>> -> memref<10240x128xf32, #tpu.memory_space<vmem_shared>>
      tpu.enqueue_indirect_dma source(%arg11 : memref<80x128xf32, #tpu.memory_space<vmem>>) target(%dma_start3A_69 : memref<10240x128xf32, #tpu.memory_space<vmem_shared>>) offsets(%arg8 : memref<80xi32, #tpu.memory_space<vmem>>) semaphore(%run_scoped3A : memref<!tpu.dma_semaphore, #tpu.memory_space<semaphore_mem>>) {add = true}
      %dma_wait3A_70 = arith.constant 0 : i32
      %dma_wait3A_71 = arith.constant 0 : i32
      %dma_wait3A_72 = tpu.memref_slice %arg13[%dma_wait3A_70, %dma_wait3A_71] : memref<10240x128xf32, #tpu.memory_space<vmem_shared>> -> memref<10240x128xf32, #tpu.memory_space<vmem_shared>>
      tpu.wait_indirect_dma semaphore(%run_scoped3A : memref<!tpu.dma_semaphore, #tpu.memory_space<semaphore_mem>>) src(%arg11 : memref<80x128xf32, #tpu.memory_space<vmem>>) dst(%dma_wait3A_72 : memref<10240x128xf32, #tpu.memory_space<vmem_shared>>)
      tpu.yield
    }) : () -> ()
    %barrier3A_62 = arith.constant 0 : index
    tpu.barrier barrier_id(%barrier3A_62)
    %mul3A_63 = arith.constant 640 : i32
    %mul3A_64 = arith.muli %arg1, %mul3A_63 : i32
    %mul3A_65 = arith.constant 640 : i32
    %mul3A_66 = arith.muli %arg1, %mul3A_65 : i32
    "tpu.region"() ({
      %run_scoped3A = tpu.sem_alloc : memref<!tpu.dma_semaphore, #tpu.memory_space<semaphore_mem>>
      %dma_start3A_67 = arith.constant 0 : i32
      %dma_start3A_68 = tpu.memref_slice %arg5[%arg0, %mul3A_66, %dma_start3A_67] : memref<2x10240x128xf32, #tpu.memory_space<hbm>> -> memref<1x640x128xf32, #tpu.memory_space<hbm>>
      %dma_start3A_69 = tpu.memref_squeeze %dma_start3A_68 : memref<1x640x128xf32, #tpu.memory_space<hbm>> -> memref<640x128xf32, #tpu.memory_space<hbm>>
      %dma_start3A_70 = arith.constant 0 : i32
      %dma_start3A_71 = tpu.memref_slice %arg13[%mul3A_64, %dma_start3A_70] : memref<10240x128xf32, #tpu.memory_space<vmem_shared>> -> memref<640x128xf32, #tpu.memory_space<vmem_shared>>
      tpu.enqueue_dma source(%dma_start3A_71 : memref<640x128xf32, #tpu.memory_space<vmem_shared>>) target(%dma_start3A_69 : memref<640x128xf32, #tpu.memory_space<hbm>>) target_semaphore(%run_scoped3A : memref<!tpu.dma_semaphore, #tpu.memory_space<semaphore_mem>>)
      %dma_wait3A_72 = arith.constant 0 : i32
      %dma_wait3A_73 = tpu.memref_slice %arg5[%arg0, %mul3A_66, %dma_wait3A_72] : memref<2x10240x128xf32, #tpu.memory_space<hbm>> -> memref<1x640x128xf32, #tpu.memory_space<hbm>>
      %dma_wait3A_74 = tpu.memref_squeeze %dma_wait3A_73 : memref<1x640x128xf32, #tpu.memory_space<hbm>> -> memref<640x128xf32, #tpu.memory_space<hbm>>
      %dma_wait3A_75 = arith.constant 0 : i32
      %dma_wait3A_76 = tpu.memref_slice %arg13[%mul3A_64, %dma_wait3A_75] : memref<10240x128xf32, #tpu.memory_space<vmem_shared>> -> memref<640x128xf32, #tpu.memory_space<vmem_shared>>
      tpu.wait_dma2 semaphore(%run_scoped3A : memref<!tpu.dma_semaphore, #tpu.memory_space<semaphore_mem>>) src(%dma_wait3A_76 : memref<640x128xf32, #tpu.memory_space<vmem_shared>>) dst(%dma_wait3A_74 : memref<640x128xf32, #tpu.memory_space<hbm>>)
      tpu.yield
    }) : () -> ()
    return
  }
}

module attributes {stable_mosaic.version = 14 : i64} {
  func.func @_tc1_body(%arg0: i32, %arg1: memref<512x128xf32, #tpu.memory_space<vmem>>, %arg2: memref<32x512xf32, #tpu.memory_space<vmem>>, %arg3: memref<128x128xf32, #tpu.memory_space<vmem>>, %arg4: memref<512x128xf32, #tpu.memory_space<vmem>>) attributes {dimension_semantics = [#tpu.dimension_semantics<arbitrary>], iteration_bounds = array<i64: 20>, scalar_prefetch = 0 : i64, scratch_operands = 0 : i64, tpu.core_type = #tpu.core_type<tc>, window_params = [{transform_indices = @transform_0, window_bounds = array<i64: 512, 128>}, {transform_indices = @transform_1, window_bounds = array<i64: 32, 512>}, {pipeline_mode = #tpu.pipeline_mode<synchronous>, transform_indices = @transform_2, window_bounds = array<i64: 128, 128>}, {transform_indices = @transform_3, window_bounds = array<i64: 512, 128>}]} {
    %get3A = arith.constant 0 : index
    %get3A_0 = arith.constant 0 : index
    %get3A_1 = vector.load %arg2[%get3A, %get3A_0] : memref<32x512xf32, #tpu.memory_space<vmem>>, vector<32x512xf32>
    %reduce_sum3A = arith.constant dense<0.000000e+00> : vector<512xf32>
    %reduce_sum3A_2 = vector.multi_reduction <add>, %get3A_1, %reduce_sum3A [0] : vector<32x512xf32> to vector<512xf32>
    %jit3A = arith.constant 1.000000e+00 : f32
    %max3A = vector.broadcast %jit3A : f32 to vector<512xf32>
    %max3A_3 = arith.maximumf %max3A, %reduce_sum3A_2 : vector<512xf32>
    %rsqrt3A = math.rsqrt %max3A_3 : vector<512xf32>
    %get3A_4 = arith.constant 0 : index
    %get3A_5 = arith.constant 0 : index
    %get3A_6 = vector.load %arg1[%get3A_4, %get3A_5] : memref<512x128xf32, #tpu.memory_space<vmem>>, vector<512x128xf32>
    %get3A_7 = arith.constant 0 : index
    %get3A_8 = arith.constant 0 : index
    %get3A_9 = vector.load %arg3[%get3A_7, %get3A_8] : memref<128x128xf32, #tpu.memory_space<vmem>>, vector<128x128xf32>
    %dot_general3A = arith.constant dense<0.000000e+00> : vector<512x128xf32>
    %dot_general3A_10 = tpu.matmul %get3A_6, %get3A_9, %dot_general3A {dimension_numbers = #tpu.dot_dimension_numbers<[1], [0], [0], [1], [0, 0, 1, 1], [], []>, transpose_lhs_hint = false} : vector<512x128xf32>, vector<128x128xf32>, vector<512x128xf32> -> vector<512x128xf32>
    %broadcast_in_dim3A = vector.shape_cast %rsqrt3A : vector<512xf32> to vector<512x1xf32>
    %mul3A = vector.broadcast %broadcast_in_dim3A : vector<512x1xf32> to vector<512x128xf32>
    %mul3A_11 = arith.mulf %dot_general3A_10, %mul3A : vector<512x128xf32>
    %swap3A = arith.constant 0 : index
    %swap3A_12 = arith.constant 0 : index
    %swap3A_13 = vector.load %arg4[%swap3A, %swap3A_12] : memref<512x128xf32, #tpu.memory_space<vmem>>, vector<512x128xf32>
    tpu.vector_store %arg4[%swap3A, %swap3A_12], %mul3A_11 {strides = array<i32>} : memref<512x128xf32, #tpu.memory_space<vmem>>, vector<512x128xf32>,
    return
  }
  func.func @transform_0(%arg0: i32) -> (i32, i32) {
    %c0_i32 = arith.constant 0 : i32
    %c0_i32_0 = arith.constant 0 : i32
    return %arg0, %c0_i32 : i32, i32
  }
  func.func @transform_1(%arg0: i32) -> (i32, i32) {
    %c0_i32 = arith.constant 0 : i32
    %c0_i32_0 = arith.constant 0 : i32
    return %c0_i32, %arg0 : i32, i32
  }
  func.func @transform_2(%arg0: i32) -> (i32, i32) {
    %c0_i32 = arith.constant 0 : i32
    %c0_i32_0 = arith.constant 0 : i32
    %c0_i32_1 = arith.constant 0 : i32
    return %c0_i32, %c0_i32_0 : i32, i32
  }
  func.func @transform_3(%arg0: i32) -> (i32, i32) {
    %c0_i32 = arith.constant 0 : i32
    %c0_i32_0 = arith.constant 0 : i32
    return %arg0, %c0_i32 : i32, i32
  }
}

module attributes {stable_mosaic.version = 14 : i64} {
  func.func @_tc3_body(%arg0: i32, %arg1: memref<2x512x128xf32, #tpu.memory_space<vmem>>, %arg2: memref<32x512xf32, #tpu.memory_space<vmem>>, %arg3: memref<1x128xf32, #tpu.memory_space<vmem>>, %arg4: memref<512x128xf32, #tpu.memory_space<vmem>>) attributes {dimension_semantics = [#tpu.dimension_semantics<arbitrary>], iteration_bounds = array<i64: 20>, scalar_prefetch = 0 : i64, scratch_operands = 0 : i64, tpu.core_type = #tpu.core_type<tc>, window_params = [{transform_indices = @transform_0, window_bounds = array<i64: 2, 512, 128>}, {transform_indices = @transform_1, window_bounds = array<i64: 32, 512>}, {pipeline_mode = #tpu.pipeline_mode<synchronous>, transform_indices = @transform_2, window_bounds = array<i64: 1, 128>}, {transform_indices = @transform_3, window_bounds = array<i64: 512, 128>}]} {
    %get3A = arith.constant 0 : index
    %get3A_0 = arith.constant 0 : index
    %get3A_1 = arith.constant 0 : index
    %get3A_2 = vector.load %arg1[%get3A, %get3A_0, %get3A_1] : memref<2x512x128xf32, #tpu.memory_space<vmem>>, vector<1x512x128xf32>
    %get3A_3 = vector.shape_cast %get3A_2 : vector<1x512x128xf32> to vector<512x128xf32>
    %get3A_4 = arith.constant 1 : index
    %get3A_5 = arith.constant 0 : index
    %get3A_6 = arith.constant 0 : index
    %get3A_7 = vector.load %arg1[%get3A_4, %get3A_5, %get3A_6] : memref<2x512x128xf32, #tpu.memory_space<vmem>>, vector<1x512x128xf32>
    %get3A_8 = vector.shape_cast %get3A_7 : vector<1x512x128xf32> to vector<512x128xf32>
    %add3A = arith.addf %get3A_3, %get3A_8 : vector<512x128xf32>
    %get3A_9 = arith.constant 0 : index
    %get3A_10 = arith.constant 0 : index
    %get3A_11 = vector.load %arg2[%get3A_9, %get3A_10] : memref<32x512xf32, #tpu.memory_space<vmem>>, vector<32x512xf32>
    %reduce_sum3A = arith.constant dense<0.000000e+00> : vector<512xf32>
    %reduce_sum3A_12 = vector.multi_reduction <add>, %get3A_11, %reduce_sum3A [0] : vector<32x512xf32> to vector<512xf32>
    %jit3A = arith.constant 1.000000e+00 : f32
    %max3A = vector.broadcast %jit3A : f32 to vector<512xf32>
    %max3A_13 = arith.maximumf %max3A, %reduce_sum3A_12 : vector<512xf32>
    %rsqrt3A = math.rsqrt %max3A_13 : vector<512xf32>
    %broadcast_in_dim3A = vector.shape_cast %rsqrt3A : vector<512xf32> to vector<512x1xf32>
    %mul3A = vector.broadcast %broadcast_in_dim3A : vector<512x1xf32> to vector<512x128xf32>
    %mul3A_14 = arith.mulf %add3A, %mul3A : vector<512x128xf32>
    %get3A_15 = arith.constant 0 : index
    %get3A_16 = arith.constant 0 : index
    %get3A_17 = vector.load %arg3[%get3A_15, %get3A_16] : memref<1x128xf32, #tpu.memory_space<vmem>>, vector<1x128xf32>
    %add3A_18 = vector.broadcast %get3A_17 : vector<1x128xf32> to vector<512x128xf32>
    %add3A_19 = arith.addf %mul3A_14, %add3A_18 : vector<512x128xf32>
    %swap3A = arith.constant 0 : index
    %swap3A_20 = arith.constant 0 : index
    %swap3A_21 = vector.load %arg4[%swap3A, %swap3A_20] : memref<512x128xf32, #tpu.memory_space<vmem>>, vector<512x128xf32>
    tpu.vector_store %arg4[%swap3A, %swap3A_20], %add3A_19 {strides = array<i32>} : memref<512x128xf32, #tpu.memory_space<vmem>>, vector<512x128xf32>,
    return
  }
  func.func @transform_0(%arg0: i32) -> (i32, i32, i32) {
    %c0_i32 = arith.constant 0 : i32
    %c0_i32_0 = arith.constant 0 : i32
    %c0_i32_1 = arith.constant 0 : i32
    return %c0_i32, %arg0, %c0_i32_0 : i32, i32, i32
  }
  func.func @transform_1(%arg0: i32) -> (i32, i32) {
    %c0_i32 = arith.constant 0 : i32
    %c0_i32_0 = arith.constant 0 : i32
    return %c0_i32, %arg0 : i32, i32
  }
  func.func @transform_2(%arg0: i32) -> (i32, i32) {
    %c0_i32 = arith.constant 0 : i32
    %c0_i32_0 = arith.constant 0 : i32
    %c0_i32_1 = arith.constant 0 : i32
    return %c0_i32, %c0_i32_0 : i32, i32
  }
  func.func @transform_3(%arg0: i32) -> (i32, i32) {
    %c0_i32 = arith.constant 0 : i32
    %c0_i32_0 = arith.constant 0 : i32
    return %arg0, %c0_i32 : i32, i32
  }
}

module attributes {stable_mosaic.version = 14 : i64} {
  func.func @_tc2_body(%arg0: i32, %arg1: memref<2x512x128xf32, #tpu.memory_space<vmem>>, %arg2: memref<32x512xf32, #tpu.memory_space<vmem>>, %arg3: memref<32x512xf32, #tpu.memory_space<vmem>>, %arg4: memref<1x128xf32, #tpu.memory_space<vmem>>, %arg5: memref<128x128xf32, #tpu.memory_space<vmem>>, %arg6: memref<512x128xf32, #tpu.memory_space<vmem>>) attributes {dimension_semantics = [#tpu.dimension_semantics<arbitrary>], iteration_bounds = array<i64: 20>, scalar_prefetch = 0 : i64, scratch_operands = 0 : i64, tpu.core_type = #tpu.core_type<tc>, window_params = [{transform_indices = @transform_0, window_bounds = array<i64: 2, 512, 128>}, {transform_indices = @transform_1, window_bounds = array<i64: 32, 512>}, {transform_indices = @transform_2, window_bounds = array<i64: 32, 512>}, {pipeline_mode = #tpu.pipeline_mode<synchronous>, transform_indices = @transform_3, window_bounds = array<i64: 1, 128>}, {pipeline_mode = #tpu.pipeline_mode<synchronous>, transform_indices = @transform_4, window_bounds = array<i64: 128, 128>}, {transform_indices = @transform_5, window_bounds = array<i64: 512, 128>}]} {
    %get3A = arith.constant 0 : index
    %get3A_0 = arith.constant 0 : index
    %get3A_1 = arith.constant 0 : index
    %get3A_2 = vector.load %arg1[%get3A, %get3A_0, %get3A_1] : memref<2x512x128xf32, #tpu.memory_space<vmem>>, vector<1x512x128xf32>
    %get3A_3 = vector.shape_cast %get3A_2 : vector<1x512x128xf32> to vector<512x128xf32>
    %get3A_4 = arith.constant 1 : index
    %get3A_5 = arith.constant 0 : index
    %get3A_6 = arith.constant 0 : index
    %get3A_7 = vector.load %arg1[%get3A_4, %get3A_5, %get3A_6] : memref<2x512x128xf32, #tpu.memory_space<vmem>>, vector<1x512x128xf32>
    %get3A_8 = vector.shape_cast %get3A_7 : vector<1x512x128xf32> to vector<512x128xf32>
    %add3A = arith.addf %get3A_3, %get3A_8 : vector<512x128xf32>
    %get3A_9 = arith.constant 0 : index
    %get3A_10 = arith.constant 0 : index
    %get3A_11 = vector.load %arg2[%get3A_9, %get3A_10] : memref<32x512xf32, #tpu.memory_space<vmem>>, vector<32x512xf32>
    %reduce_sum3A = arith.constant dense<0.000000e+00> : vector<512xf32>
    %reduce_sum3A_12 = vector.multi_reduction <add>, %get3A_11, %reduce_sum3A [0] : vector<32x512xf32> to vector<512xf32>
    %jit3A = arith.constant 1.000000e+00 : f32
    %max3A = vector.broadcast %jit3A : f32 to vector<512xf32>
    %max3A_13 = arith.maximumf %max3A, %reduce_sum3A_12 : vector<512xf32>
    %rsqrt3A = math.rsqrt %max3A_13 : vector<512xf32>
    %get3A_14 = arith.constant 0 : index
    %get3A_15 = arith.constant 0 : index
    %get3A_16 = vector.load %arg3[%get3A_14, %get3A_15] : memref<32x512xf32, #tpu.memory_space<vmem>>, vector<32x512xf32>
    %reduce_sum3A_17 = arith.constant dense<0.000000e+00> : vector<512xf32>
    %reduce_sum3A_18 = vector.multi_reduction <add>, %get3A_16, %reduce_sum3A_17 [0] : vector<32x512xf32> to vector<512xf32>
    %jit3A_19 = arith.constant 1.000000e+00 : f32
    %max3A_20 = vector.broadcast %jit3A_19 : f32 to vector<512xf32>
    %max3A_21 = arith.maximumf %max3A_20, %reduce_sum3A_18 : vector<512xf32>
    %rsqrt3A_22 = math.rsqrt %max3A_21 : vector<512xf32>
    %broadcast_in_dim3A = vector.shape_cast %rsqrt3A : vector<512xf32> to vector<512x1xf32>
    %mul3A = vector.broadcast %broadcast_in_dim3A : vector<512x1xf32> to vector<512x128xf32>
    %mul3A_23 = arith.mulf %add3A, %mul3A : vector<512x128xf32>
    %get3A_24 = arith.constant 0 : index
    %get3A_25 = arith.constant 0 : index
    %get3A_26 = vector.load %arg4[%get3A_24, %get3A_25] : memref<1x128xf32, #tpu.memory_space<vmem>>, vector<1x128xf32>
    %add3A_27 = vector.broadcast %get3A_26 : vector<1x128xf32> to vector<512x128xf32>
    %add3A_28 = arith.addf %mul3A_23, %add3A_27 : vector<512x128xf32>
    %max3A_29 = arith.constant 0.000000e+00 : f32
    %max3A_30 = vector.broadcast %max3A_29 : f32 to vector<512x128xf32>
    %max3A_31 = arith.maximumf %add3A_28, %max3A_30 : vector<512x128xf32>
    %get3A_32 = arith.constant 0 : index
    %get3A_33 = arith.constant 0 : index
    %get3A_34 = vector.load %arg5[%get3A_32, %get3A_33] : memref<128x128xf32, #tpu.memory_space<vmem>>, vector<128x128xf32>
    %dot_general3A = arith.constant dense<0.000000e+00> : vector<512x128xf32>
    %dot_general3A_35 = tpu.matmul %max3A_31, %get3A_34, %dot_general3A {dimension_numbers = #tpu.dot_dimension_numbers<[1], [0], [0], [1], [0, 0, 1, 1], [], []>, transpose_lhs_hint = false} : vector<512x128xf32>, vector<128x128xf32>, vector<512x128xf32> -> vector<512x128xf32>
    %broadcast_in_dim3A_36 = vector.shape_cast %rsqrt3A_22 : vector<512xf32> to vector<512x1xf32>
    %mul3A_37 = vector.broadcast %broadcast_in_dim3A_36 : vector<512x1xf32> to vector<512x128xf32>
    %mul3A_38 = arith.mulf %dot_general3A_35, %mul3A_37 : vector<512x128xf32>
    %swap3A = arith.constant 0 : index
    %swap3A_39 = arith.constant 0 : index
    %swap3A_40 = vector.load %arg6[%swap3A, %swap3A_39] : memref<512x128xf32, #tpu.memory_space<vmem>>, vector<512x128xf32>
    tpu.vector_store %arg6[%swap3A, %swap3A_39], %mul3A_38 {strides = array<i32>} : memref<512x128xf32, #tpu.memory_space<vmem>>, vector<512x128xf32>,
    return
  }
  func.func @transform_0(%arg0: i32) -> (i32, i32, i32) {
    %c0_i32 = arith.constant 0 : i32
    %c0_i32_0 = arith.constant 0 : i32
    %c0_i32_1 = arith.constant 0 : i32
    return %c0_i32, %arg0, %c0_i32_0 : i32, i32, i32
  }
  func.func @transform_1(%arg0: i32) -> (i32, i32) {
    %c0_i32 = arith.constant 0 : i32
    %c0_i32_0 = arith.constant 0 : i32
    return %c0_i32, %arg0 : i32, i32
  }
  func.func @transform_2(%arg0: i32) -> (i32, i32) {
    %c0_i32 = arith.constant 0 : i32
    %c0_i32_0 = arith.constant 0 : i32
    return %c0_i32, %arg0 : i32, i32
  }
  func.func @transform_3(%arg0: i32) -> (i32, i32) {
    %c0_i32 = arith.constant 0 : i32
    %c0_i32_0 = arith.constant 0 : i32
    %c0_i32_1 = arith.constant 0 : i32
    return %c0_i32, %c0_i32_0 : i32, i32
  }
  func.func @transform_4(%arg0: i32) -> (i32, i32) {
    %c0_i32 = arith.constant 0 : i32
    %c0_i32_0 = arith.constant 0 : i32
    %c0_i32_1 = arith.constant 0 : i32
    return %c0_i32, %c0_i32_0 : i32, i32
  }
  func.func @transform_5(%arg0: i32) -> (i32, i32) {
    %c0_i32 = arith.constant 0 : i32
    %c0_i32_0 = arith.constant 0 : i32
    return %arg0, %c0_i32 : i32, i32
  }
}

</mosaic_0001>

<sc_bundles>
// kernel: _run.11.cloned.1.call-start
scs
__scs_entry_jumppad:
0x0: {  	(pc) =	sbr.rel $0x88, $3  }
0x1: {  	(tag) =	ssettag $0x0;
	lr =	simm.s32 $0x1  }
0x2: {  	[smem:$0x3F9B] =	sst lr;
	_ =	strace $0xD0000000  }
0x3: {  	_ = 	snop  }
0x4: {  	_ = 	snop  }
0x5: {  	_ = 	snop  }
0x6: {  	_ = 	snop  }
0x7: {  	_ = 	snop  }
__scs_overlays_trampoline_lowered:
0x8: {  	[smem:$0x3FAA] =	sst s0  }
0x9: {  	[smem:$0x3FAB] =	sst s1  }
0xa: {  	[smem:$0x3FAC] =	sst s2  }
0xb: {  	[smem:$0x3FAD] =	sst s3  }
0xc: {  	[smem:$0x3FAE] =	sst s4  }
0xd: {  	[smem:$0x3FAF] =	sst s5  }
0xe: {  	[smem:$0x3FB0] =	sst s6  }
0xf: {  	[smem:$0x3FB1] =	sst s7  }
0x10: {  	[smem:$0x3FB2] =	sst s8  }
0x11: {  	[smem:$0x3FB3] =	sst s9;
	s0 =	simm.s32 @!p0 $0x0  }
0x12: {  	s1 =	sld [smem:$0x3F99];
	s0 =	simm.s32 @p0 $0x1  }
0x13: {  	[smem:$0x3FB4] =	sst s0;
	s0 =	simm.s32 @!p1 $0x0  }
0x14: {  	s2 =	sld [smem:$0x3F98];
	s0 =	simm.s32 @p1 $0x1  }
0x15: {  	[smem:$0x3FB5] =	sst s0;
	s0 =	simm.s32 @!p2 $0x0  }
0x16: {  	s3 =	sld [smem:$0x3FDB];
	s0 =	simm.s32 @p2 $0x1  }
0x17: {  	s4 =	simm.s32 $0x1BF5;
	[smem:$0x3FB7] =	sst s0  }
0x18: {  	s0 =	sld [smem:$0x3F9A];
	_ =	swait.ge [sflag:s4], $0x0  }
0x19: {  	s7 =	sld [smem:$0x3F9B]  }
0x1a: {  	s8 =	sadd.s32 $0xFFFFE003, lr  }
0x1b: {  	s9 =	sadd.s32 $0xFFFFFEF7, lr;
	s5 =	simm.s32 $0xFFFFFFFF;
	p2 =	slt.u32 s8, $0xFFFFF086  }
0x1c: {  	p1 =	slt.u32 s9, $0xF7A;
	s5 =	simm.s32 @!p2 $0x0  }
0x1d: {  	s5 =	simm.s32 @p1 $0x1;
	p0 =	seq.s32 s7, s2  }
0x1e: {  	s7 =	smul.u32 @!p0 $0xF7A, s2;
	p2 =	seq.s32 @!p0 s5, $0x0  }
0x1f: {  	s9 =	smul.u32 $0xF7A, s1;
	s8 =	simm.s32 @!p0 $0x1BF5;
	p2 =	por !p2, p0  }
0x20: {  	[sflag:s8] =	ssyncset.s32 @!p0 $0xFFFFF086;
	s6 =	sadd.s32 @!p0 s3, s7;
	s7 =	simm.s32 @!p0 $0x108  }
0x21: {  	s3 =	sadd.s32 s3, s9;
	s6 =	sadd.s32 @!p0 $0x88, s6;
	s7 =	simm.s32 @p2 $0x1082  }
0x22: {  	[simem:s7], [sflag:s8] =	dma.local @!p0 [hbm:s6], $0xF7A  }
0x23: {  	s9 =	sor.u32 $0xD0000000, s2;
	s6 =	simm.s32 $0x108;
	_ =	swait.ge @!p0 [sflag:s8], $0x0  }
0x24: {  	s3 =	sadd.s32 $0x88, s3;
	s6 =	simm.s32 @!p1 $0x1082;
	[sflag:s4] =	ssyncset.s32 $0xFFFFF086  }
0x25: {  	[simem:s6], [sflag:s4] =	dma.local [hbm:s3], $0xF7A  }
0x26: {  	[smem:$0x3F9B] =	sst s1;
	(tag) =	ssettag s2;
	_ =	strace s9  }
0x27: {  	s1 =	sld [smem:$0x3FAB]  }
0x28: {  	s2 =	sld [smem:$0x3FAC]  }
0x29: {  	s4 =	sld [smem:$0x3FAE]  }
0x2a: {  	p0 =	seq.s32 s5, $0x0;
	s5 =	sld [smem:$0x3FAF]  }
0x2b: {  	s6 =	sld [smem:$0x3FB0]  }
0x2c: {  	s7 =	sld [smem:$0x3FB1]  }
0x2d: {  	s3 =	simm.s32 $0x108;
	s8 =	sld [smem:$0x3FB2]  }
0x2e: {  	s3 =	simm.s32 @!p0 $0x1082;
	s9 =	sld [smem:$0x3FB3]  }
0x2f: {  	lr =	sadd.s32 s0, s3;
	s0 =	sld [smem:$0x3FAA]  }
0x30: {  	s3 =	sld [smem:$0x3FAD]  }
0x31: {  	[smem:$0x3FB6] =	sst s10  }
0x32: {  	s10 =	sld [smem:$0x3FB4];
	_ =	sdelay $0x3  }
0x33: {  	p0 =	seq.s32 s10, $0x1;
	s10 =	sld [smem:$0x3FB6];
	_ =	sdelay $0x3  }
0x34: {  	[smem:$0x3FB6] =	sst s10  }
0x35: {  	s10 =	sld [smem:$0x3FB5];
	_ =	sdelay $0x3  }
0x36: {  	p1 =	seq.s32 s10, $0x1;
	s10 =	sld [smem:$0x3FB6];
	_ =	sdelay $0x3  }
0x37: {  	[smem:$0x3FB6] =	sst s10  }
0x38: {  	s10 =	sld [smem:$0x3FB7]  }
0x39: {  	_ = 	snop;
	(pc) =	sbr.ind lr, $3  }
0x3a: {  	_ = 	snop  }
0x3b: {  	_ = 	snop  }
0x3c: {  	p2 =	seq.s32 s10, $0x1;
	s10 =	sld [smem:$0x3FB6]  }
0x3d: {  	_ =	shalt  }
0x3e: {  	_ =	shalt  }
0x3f: {  	_ =	shalt  }
0x40: {  	_ =	shalt  }
0x41: {  	_ =	shalt  }
0x42: {  	_ =	shalt  }
0x43: {  	_ =	shalt  }
0x44: {  	_ =	shalt  }
0x45: {  	_ =	shalt  }
0x46: {  	_ =	shalt  }
0x47: {  	_ =	shalt  }
0x48: {  	_ =	shalt  }
0x49: {  	_ =	shalt  }
0x4a: {  	_ =	shalt  }
0x4b: {  	_ =	shalt  }
0x4c: {  	_ =	shalt  }
0x4d: {  	_ =	shalt  }
0x4e: {  	_ =	shalt  }
0x4f: {  	_ =	shalt  }
0x50: {  	_ =	shalt  }
0x51: {  	_ =	shalt  }
0x52: {  	_ =	shalt  }
0x53: {  	_ =	shalt  }
0x54: {  	_ =	shalt  }
0x55: {  	_ =	shalt  }
0x56: {  	_ =	shalt  }
0x57: {  	_ =	shalt  }
0x58: {  	_ =	shalt  }
0x59: {  	_ =	shalt  }
0x5a: {  	_ =	shalt  }
0x5b: {  	_ =	shalt  }
0x5c: {  	_ =	shalt  }
0x5d: {  	_ =	shalt  }
0x5e: {  	_ =	shalt  }
0x5f: {  	_ =	shalt  }
0x60: {  	_ =	shalt  }
0x61: {  	_ =	shalt  }
0x62: {  	_ =	shalt  }
0x63: {  	_ =	shalt  }
0x64: {  	_ =	shalt  }
0x65: {  	_ =	shalt  }
0x66: {  	_ =	shalt  }
0x67: {  	_ =	shalt  }
0x68: {  	_ =	shalt  }
0x69: {  	_ =	shalt  }
0x6a: {  	_ =	shalt  }
0x6b: {  	_ =	shalt  }
0x6c: {  	_ =	shalt  }
0x6d: {  	_ =	shalt  }
0x6e: {  	_ =	shalt  }
0x6f: {  	_ =	shalt  }
0x70: {  	_ =	shalt  }
0x71: {  	_ =	shalt  }
0x72: {  	_ =	shalt  }
0x73: {  	_ =	shalt  }
0x74: {  	_ =	shalt  }
0x75: {  	_ =	shalt  }
0x76: {  	_ =	shalt  }
0x77: {  	_ =	shalt  }
0x78: {  	_ =	shalt  }
0x79: {  	_ =	shalt  }
0x7a: {  	_ =	shalt  }
0x7b: {  	_ =	shalt  }
0x7c: {  	_ =	shalt  }
0x7d: {  	_ =	shalt  }
0x7e: {  	_ =	shalt  }
0x7f: {  	_ =	shalt  }
0x80: {  	_ =	shalt  }
0x81: {  	_ =	shalt  }
0x82: {  	_ =	shalt  }
0x83: {  	_ =	shalt  }
0x84: {  	_ =	shalt  }
0x85: {  	_ =	shalt  }
0x86: {  	_ =	shalt  }
0x87: {  	_ =	shalt  }
.Lfunc_end0:
.L_simem_size_0:
called_computation.1_lowered:
.L_overlay_start_0:
0x88: {  	s2 =	sld [smem:$0x3FD9]  }
0x89: {  	s3 =	sld [smem:$0x3FFE];
	_ =	sdelay $0x1  }
0x8a: {  	s1 =	srdreg.scid  }
0x8b: {  	s0 =	sand.u32 $0x1, s1  }
0x8c: {  	s17 =	sshll.u32 s0, $0xA;
	s2 =	sadd.s32 s3, s2  }
0x8d: {  	s2 =	sadd.s32 s2, s17  }
0x8e: {  	[smem:$0x3FC2] =	sst s2  }
0x8f: {  	_ = 	snop  }
0x90: {  	s2 =	sld [smem:$0x3FD0];
	(tm) =	ssettm $0x1  }
0x91: {  	s18 =	sld [smem:$0x3FFB];
	_ =	sdelay $0x3  }
0x92: {  	_ =	strace s18  }
0x93: {  	s3 =	sld [smem:$0x3FFC];
	_ =	sdelay $0x3  }
0x94: {  	_ =	strace s3  }
0x95: {  	s3 =	sld [smem:$0x3FFD];
	_ =	sdelay $0x3  }
0x96: {  	_ =	strace s3  }
0x97: {  	_ =	strace $0x8FFFFFFF  }
0x98: {  	s19 =	sld [smem:$0x3FDB];
	_ =	sdelay $0x1  }
0x99: {  	s4 =	simm.s32 $_scs_section_size  }
0x9a: {  	s5 =	simm.s32 $_size__tile_overlayer_lowered;
	s6 =	simm.s32 $_tile_overlayer_lowered  }
0x9b: {  	s22 =	simm.s32 $0x1BFF;
	s21 =	sshll.u32 s6, $0x1;
	s3 =	sadd.s32 s4, s19  }
0x9c: {  	s7 =	simm.s32 $0x0;
	s20 =	sshll.u32 s5, $0x1;
	s5 =	sadd.s32 s21, s3  }
0x9d: {  	[timem:s7], [sflag:s22] =	dma.local [hbm:s5], s20  }
0x9e: {  	_ =	swait.ge [sflag:s22], s20  }
0x9f: {  	s4 =	ssub.s32 $0x0, s20;
	[sflag:s22] =	ssyncset.done $0x0  }
0xa0: {  	[sflag:s22] =	ssyncadd.s32 s4;
	_ =	sdelay $0x1  }
0xa1: {  	s23 =	simm.s32 $0x1B8B  }
0xa2: {  	_ =	swait.ge [sflag:s23], $0x1  }
0xa3: {  	[sflag:s23] =	ssyncset.done $0x0  }
0xa4: {  	s25 =	simm.s32 $0x1B8E;
	s24 =	sld [smem:$0x3FFE];
	[sflag:s23] =	ssyncadd.s32 $0xFFFFFFFF  }
0xa5: {  	s26 =	simm.s32 $execute0_lowered;
	[smem:$0x3FD2] =	sst s25  }
0xa6: {  	s5 =	sshll.u32 s26, $0x1;
	_ =	strace $0x80000049;
	[dreg:$0x1] =	wrdreg $0xFFFFFFFF  }
0xa7: {  	s28 =	simm.s32 $_size_execute0_lowered;
	s3 =	sadd.s32 s3, s5;
	[dreg:$0x0] =	wrdreg $0x0  }
0xa8: {  	s5 =	sshll.u32 s28, $0x1;
	[dreg:$0x2] =	wrdreg s3  }
0xa9: {  	[dreg:$0x3] =	wrdreg s5  }
0xaa: {  	[dreg:$0x4] =	wrdreg $0xC0  }
0xab: {  	_ =	task [dreg:s7], $0x5FFFF  }
0xac: {  	[dreg:$0x1] =	wrdreg $0xFFFFFFFF  }
0xad: {  	[dreg:$0x0] =	wrdreg $0x60  }
0xae: {  	[dreg:$0x2] =	wrdreg s2  }
0xaf: {  	[dreg:$0x3] =	wrdreg s24  }
0xb0: {  	[dreg:$0x4] =	wrdreg $0xA1000  }
0xb1: {  	[dreg:$0x5] =	wrdreg $0x9  }
0xb2: {  	_ =	task.clear_ibuf [dreg:s7], $0x6FFFF;
	_ =	strace $0x90000049  }
0xb3: {  	s29 =	simm.s32 $0x9;
	_ =	strace $0x8000004B  }
0xb4: {  	_ =	swait.ge [sflag:s29], $0x1  }
0xb5: {  	[sflag:s29] =	ssyncadd.s32 $0xFFFFFFFF  }
0xb6: {  	_ =	strace $0x9000004B  }
0xb7: {  	_ =	sfence  }
0xb8: {  	s30 =	sld [smem:$0x0];
	_ =	sdelay $0x2  }
0xb9: {  	s31 =	sshll.u32 s1, $0xD;
	s1 =	sshrl.u32 s1, $0x2  }
0xba: {  	s3 =	sand.u32 $0x4000, s31;
	s1 =	sadd.s32 s1, s30  }
0xbb: {  	s0 =	sor.u32 s3, s0;
	s1 =	sshll.u32 s1, $0x11  }
0xbc: {  	s0 =	sor.u32 s1, s0  }
0xbd: {  	s0 =	sadd.s32 $0x8F2B, s0  }
0xbe: {  	[sflag:s0] =	ssyncadd.remote.s32 $0x1  }
0xbf: {  	_ =	sfence.sel $0xFFFF  }
0xc0: {  	[dreg:$0x0] =	wrdreg $0xFFFFFFFF;
	(pc) =	sbr.abs _section_cstart, $3  }
0xc1: {  	[dreg:$0x1] =	wrdreg $0xFFFFFFFF  }
0xc2: {  	_ =	task.clear_ibuf [dreg:s7], $0x2FFFF;
	_ =	strace $0x9FFFFFFF  }
0xc3: {  	(tm) =	ssettm $0x7FFFFFFF  }
tec
execute0_lowered:
.L_overlay_start_1:
0x0: {  	(tag) =	ssettag $0x1  }
0x1: {  	s2 =	rddreg [dreg:$0x0]  }
0x2: {  	s0 =	srdreg.scid;
	s6 =	rddreg [dreg:$0x1]  }
0x3: {  	s12 =	stileid.u32;
	s3 =	rddreg [dreg:$0x2]  }
0x4: {  	s4 =	simm.s32 $0x0;
	s28 =	simm.s32 $0x2800;
	s7 =	smul.u32 $0x14000, s12  }
0x5: {  	s29 =	simm.s32 $0x2880;
	s30 =	simm.s32 $0x2900;
	s26 =	smul.u32 $0x50000, s12  }
0x6: {  	s31 =	simm.s32 $0x50;
	s0 =	sand.u32 $0x1, s0;
	s15 =	smul.u32 $0x4E20, s12  }
0x7: {  	s1 =	sshll.u32 s12, $0x1;
	[smem:$0x7FF] =	sst s4;
	s5 =	smul.u32 $0x140000, s0  }
0x8: {  	s1 =	sor.u32 s0, s1;
	s9 =	ssub.s32 $0x2, s0;
	s0 =	smul.u32 $0x2710, s0  }
0x9: {  	s12 =	simm.s32 $0x3;
	s1 =	smul.u32 $0x2710, s1;
	s10 =	sshrl.u32 s9, $0x1  }
0xa: {  	_ =	strace $0x8000004A;
	s5 =	sadd.s32 s7, s5;
	s9 =	ssub.s32 s9, s10  }
0xb: {  	s0 =	sadd.s32 s0, s15;
	s1 =	sshrl.u32 s1, $0x3;
	s8 =	sshrl.u32 s5, $0x3  }
0xc: {  	s5 =	sadd.s32 $0x2400, s6;
	s14 =	smax.u32 s9, $0x1;
	s24 =	sadd.s32 $0x140, s0  }
0xd: {  	s9 =	simm.s32 $0x2;
	s25 =	sadd.s32 s1, s6;
	s8 =	sadd.s32 s8, s6  }
0xe: {  	s6 =	sadd.s32 s5, s1;
	[dreg:$0x8] =	wrdreg s14;
	s7 =	sadd.s32 $0xC200, s25  }
0xf: {  	s1 =	sshrl.u32 s26, $0x2;
	s10 =	sadd.s32 $0xA, s6;
	[dreg:$0x4] =	wrdreg s7  }
0x10: {  	s14 =	simm.s32 $0x0;
	s11 =	sadd.s32 $0x14, s6;
	[dreg:$0x5] =	wrdreg s10  }
0x11: {  	s13 =	sadd.s32 $0x20000, s8;
	s23 =	sadd.s32 $0x4CE, s6;
	[dreg:$0x6] =	wrdreg s11  }
0x12: {  	s25 =	sadd.s32 $0x190, s0;
	s26 =	sadd.s32 $0x4D8, s6;
	[dreg:$0x7] =	wrdreg s13  }
0x13: {  	s8 =	simm.s32 $0x4;
	s11 =	sadd.s32 s1, s3;
	[dreg:$0x10] =	wrdreg s23  }
0x14: {  	[dreg:$0x11] =	wrdreg s26;
	s1 =	sshrl.u32 s24, $0x3;
	s16 =	sadd.s32 $0x2800, s11  }
0x15: {  	s7 =	sshrl.u32 s25, $0x3;
	s17 =	sadd.s32 $0x5000, s11;
	[dreg:$0x9] =	wrdreg s16  }
0x16: {  	s23 =	sadd.s32 $0xF0, s0;
	s18 =	sadd.s32 $0x7800, s11;
	[dreg:$0xa] =	wrdreg s17  }
0x17: {  	s25 =	simm.s32 $0x7;
	s19 =	sadd.s32 $0xA000, s11;
	[dreg:$0xb] =	wrdreg s18  }
0x18: {  	s26 =	simm.s32 $0x2780;
	s20 =	sadd.s32 $0xC800, s11;
	[dreg:$0xc] =	wrdreg s19  }
0x19: {  	s0 =	simm.s32 $0x1;
	s21 =	sadd.s32 $0xF000, s11;
	[dreg:$0xd] =	wrdreg s20  }
0x1a: {  	s10 =	simm.s32 $0x5;
	s22 =	sadd.s32 $0x11800, s11;
	[dreg:$0xe] =	wrdreg s21  }
0x1b: {  	s13 =	simm.s32 $0x6;
	[dreg:$0xf] =	wrdreg s22;
	s22 =	sadd.s32 s1, s5  }
0x1c: {  	v0 =	vimm.f32 $0.0e+00;
	s19 =	sadd.s32 s7, s5;
	s1 =	simm.s32 $0x5100;
	s7 =	simm.s32 $0x7900  }
.LBB2_1:
0x1d: {  	s15 =	rddreg [dreg:$0x4]  }
0x1e: {  	[tilespmem:s4], [sflag:$0x7] =	stream.linear.gather [hbm4b:s15+s4], $0x2710, $0x38;
	[tilespmem:$0x1E100] =	vst v63  }
0x1f: {  	_ =	swait.ge [sflag:s25], $0x2710  }
0x20: {  	[sflag:s25] =	ssyncset.done $0x0  }
0x21: {  	[sflag:s25] =	ssyncadd.s32 $0xFFFFD8F0  }
0x22: {  	[tilespmem:s26], [sflag:$0x4] =	stream.linear.gather [hbm4b:s6+s4], $0x50, $0x38;
	[tilespmem:$0x1E100] =	vst v63  }
0x23: {  	s21 =	rddreg [dreg:$0x5]  }
0x24: {  	[tilespmem:s28], [sflag:$0x5] =	stream.linear.gather [hbm4b:s21+s4], $0x50, $0x38;
	[tilespmem:$0x1E100] =	vst v63  }
0x25: {  	s16 =	simm.s32 $0x3C0;
	s15 =	simm.s32 $0x70;
	s24 =	rddreg [dreg:$0x6]  }
0x26: {  	[tilespmem:s29], [sflag:$0x6] =	stream.linear.gather [hbm4b:s24+s4], $0x50, $0x38;
	[tilespmem:$0x1E100] =	vst v63  }
.LBB2_2:
0x27: {  	p0 =	sne.s32 s16, $0x9FC0;
	[tilespmem:s15+$0x2900] =	vst v0  }
0x28: {  	[tilespmem:s15+$0x2890] =	vst v0  }
0x29: {  	[tilespmem:s15+$0x28A0] =	vst v0  }
.Ltmp0:
0x2a: {  	[tilespmem:s15+$0x28B0] =	vst v0;
	(pc) =	sbr.rel @p0 .LBB2_2-.Ltmp0, $4  }
0x2b: {  	[tilespmem:s15+$0x28C0] =	vst v0  }
0x2c: {  	[tilespmem:s15+$0x28D0] =	vst v0  }
0x2d: {  	[tilespmem:s15+$0x28E0] =	vst v0  }
0x2e: {  	[tilespmem:s15+$0x28F0] =	vst v0;
	s15 =	sshra.s32 s16, $0x2;
	s16 =	sadd.s32 $0x200, s16  }
0x2f: {  	[tilespmem:s15+$0x2900] =	vst v0  }
0x30: {  	[tilespmem:s15+$0x2890] =	vst v0  }
0x31: {  	[tilespmem:s15+$0x28A0] =	vst v0  }
0x32: {  	[tilespmem:s15+$0x28B0] =	vst v0  }
0x33: {  	[tilespmem:s15+$0x28C0] =	vst v0  }
0x34: {  	[tilespmem:s15+$0x28D0] =	vst v0  }
0x35: {  	[tilespmem:s15+$0x28E0] =	vst v0  }
0x36: {  	[tilespmem:s15+$0x28F0] =	vst v0  }
0x37: {  	[spmem:s11] =	stream.linear.scatter [tilespmem:s30], [sflag:$0x7], $0x2800, $0x38;
	[tilespmem:$0x1E100] =	vst v63  }
0x38: {  	_ =	swait.ge [sflag:s25], $0x2800  }
0x39: {  	[sflag:s25] =	ssyncset.done $0x0  }
0x3a: {  	s16 =	rddreg [dreg:$0x9];
	[sflag:s25] =	ssyncadd.s32 $0xFFFFD800  }
0x3b: {  	[spmem:s16] =	stream.linear.scatter [tilespmem:s30], [sflag:$0x7], $0x2800, $0x38;
	[tilespmem:$0x1E100] =	vst v63  }
0x3c: {  	_ =	swait.ge [sflag:s25], $0x2800  }
0x3d: {  	[sflag:s25] =	ssyncset.done $0x0  }
0x3e: {  	s17 =	rddreg [dreg:$0xa];
	[sflag:s25] =	ssyncadd.s32 $0xFFFFD800  }
0x3f: {  	[spmem:s17] =	stream.linear.scatter [tilespmem:s30], [sflag:$0x7], $0x2800, $0x38;
	[tilespmem:$0x1E100] =	vst v63  }
0x40: {  	_ =	swait.ge [sflag:s25], $0x2800  }
0x41: {  	[sflag:s25] =	ssyncset.done $0x0  }
0x42: {  	s18 =	rddreg [dreg:$0xb];
	[sflag:s25] =	ssyncadd.s32 $0xFFFFD800  }
0x43: {  	[spmem:s18] =	stream.linear.scatter [tilespmem:s30], [sflag:$0x7], $0x2800, $0x38;
	[tilespmem:$0x1E100] =	vst v63  }
0x44: {  	_ =	swait.ge [sflag:s25], $0x2800  }
0x45: {  	[sflag:s25] =	ssyncset.done $0x0  }
0x46: {  	s20 =	rddreg [dreg:$0xc];
	[sflag:s25] =	ssyncadd.s32 $0xFFFFD800  }
0x47: {  	[spmem:s20] =	stream.linear.scatter [tilespmem:s30], [sflag:$0x7], $0x2800, $0x38;
	[tilespmem:$0x1E100] =	vst v63  }
0x48: {  	_ =	swait.ge [sflag:s25], $0x2800  }
0x49: {  	[sflag:s25] =	ssyncset.done $0x0  }
0x4a: {  	s21 =	rddreg [dreg:$0xd];
	[sflag:s25] =	ssyncadd.s32 $0xFFFFD800  }
0x4b: {  	[spmem:s21] =	stream.linear.scatter [tilespmem:s30], [sflag:$0x7], $0x2800, $0x38;
	[tilespmem:$0x1E100] =	vst v63  }
0x4c: {  	_ =	swait.ge [sflag:s25], $0x2800  }
0x4d: {  	[sflag:s25] =	ssyncset.done $0x0  }
0x4e: {  	s24 =	rddreg [dreg:$0xe];
	[sflag:s25] =	ssyncadd.s32 $0xFFFFD800  }
0x4f: {  	[spmem:s24] =	stream.linear.scatter [tilespmem:s30], [sflag:$0x7], $0x2800, $0x38;
	[tilespmem:$0x1E100] =	vst v63  }
0x50: {  	_ =	swait.ge [sflag:s25], $0x2800  }
0x51: {  	[sflag:s25] =	ssyncset.done $0x0  }
0x52: {  	s16 =	rddreg [dreg:$0xf];
	[sflag:s25] =	ssyncadd.s32 $0xFFFFD800  }
0x53: {  	[spmem:s16] =	stream.linear.scatter [tilespmem:s30], [sflag:$0x7], $0x2800, $0x38;
	[tilespmem:$0x1E100] =	vst v63  }
0x54: {  	_ =	swait.ge [sflag:s25], $0x2800  }
0x55: {  	[sflag:s25] =	ssyncset.done $0x0  }
0x56: {  	[sflag:s25] =	ssyncadd.s32 $0xFFFFD800  }
0x57: {  	s17 =	simm.s32 $0x0;
	[bflag:$0x0] =	sbarrier.arrive $0xFFFF  }
0x58: {  	[tilespmem:s30], [sflag:$0x1] =	stream.indirect.gather [hbm4b:s2+s31], $0x80, s17, s31, $0xb8;
	[tilespmem:$0x1E100] =	vst v63  }
0x59: {  	_ = 	snop  }
0x5a: {  	[tilespmem:s1], [sflag:$0x2] =	stream.indirect.gather [hbm4b:s2+s31], $0x80, s31, s31, $0xb8;
	[tilespmem:$0x1E100] =	vst v63  }
0x5b: {  	_ =	swait.ge [sflag:s0], $0x2800  }
0x5c: {  	[sflag:s0] =	ssyncset.done $0x0  }
0x5d: {  	s18 =	simm.s32 $0xA0;
	[sflag:s0] =	ssyncadd.s32 $0xFFFFD800  }
0x5e: {  	[tilespmem:s7], [sflag:$0x3] =	stream.indirect.gather [hbm4b:s2+s31], $0x80, s18, s31, $0xb8;
	[tilespmem:$0x1E100] =	vst v63  }
0x5f: {  	_ =	swait.ge [sflag:s8], $0x50  }
0x60: {  	[sflag:s8] =	ssyncset.done $0x0  }
0x61: {  	[sflag:s8] =	ssyncadd.s32 $0xFFFFFFB0  }
0x62: {  	[spmem:s3] =	stream.indirect.scatter.add.f32 [tilespmem:s30], [sflag:$0x7], $0x80, s26, s31, $0xb8;
	[tilespmem:$0x1E100] =	vst v63  }
0x63: {  	_ =	swait.ge [sflag:s25], $0x2800  }
0x64: {  	s20 =	sshrl.u32 s23, $0x3;
	[sflag:s25] =	ssyncset.done $0x0  }
0x65: {  	s15 =	sadd.s32 s5, s20;
	[sflag:s25] =	ssyncadd.s32 $0xFFFFD800  }
0x66: {  	[tilespmem:s26], [sflag:$0x4] =	stream.linear.gather [hbm4b:s15+s4], $0x50, $0x38;
	[tilespmem:$0x1E100] =	vst v63  }
0x67: {  	_ =	swait.ge [sflag:s9], $0x2800  }
0x68: {  	[sflag:s9] =	ssyncset.done $0x0  }
0x69: {  	s21 =	simm.s32 $0xF0;
	[sflag:s9] =	ssyncadd.s32 $0xFFFFD800  }
0x6a: {  	[tilespmem:s30], [sflag:$0x1] =	stream.indirect.gather [hbm4b:s2+s31], $0x80, s21, s31, $0xb8;
	[tilespmem:$0x1E100] =	vst v63  }
0x6b: {  	_ =	swait.ge [sflag:s10], $0x50  }
0x6c: {  	[sflag:s10] =	ssyncset.done $0x0  }
0x6d: {  	[sflag:s10] =	ssyncadd.s32 $0xFFFFFFB0  }
0x6e: {  	[spmem:s3] =	stream.indirect.scatter.add.f32 [tilespmem:s1], [sflag:$0x7], $0x80, s28, s31, $0xb8;
	[tilespmem:$0x1E100] =	vst v63  }
0x6f: {  	_ =	swait.ge [sflag:s25], $0x2800  }
0x70: {  	[sflag:s25] =	ssyncset.done $0x0  }
0x71: {  	[sflag:s25] =	ssyncadd.s32 $0xFFFFD800  }
0x72: {  	[tilespmem:s28], [sflag:$0x5] =	stream.linear.gather [hbm4b:s22+s4], $0x50, $0x38;
	[tilespmem:$0x1E100] =	vst v63  }
0x73: {  	_ =	swait.ge [sflag:s12], $0x2800  }
0x74: {  	[sflag:s12] =	ssyncset.done $0x0  }
0x75: {  	s24 =	simm.s32 $0x140;
	[sflag:s12] =	ssyncadd.s32 $0xFFFFD800  }
0x76: {  	[tilespmem:s1], [sflag:$0x2] =	stream.indirect.gather [hbm4b:s2+s31], $0x80, s24, s31, $0xb8;
	[tilespmem:$0x1E100] =	vst v63  }
0x77: {  	_ =	swait.ge [sflag:s13], $0x50  }
0x78: {  	[sflag:s13] =	ssyncset.done $0x0  }
0x79: {  	[sflag:s13] =	ssyncadd.s32 $0xFFFFFFB0  }
0x7a: {  	[spmem:s3] =	stream.indirect.scatter.add.f32 [tilespmem:s7], [sflag:$0x7], $0x80, s29, s31, $0xb8;
	[tilespmem:$0x1E100] =	vst v63  }
0x7b: {  	s16 =	sadd.s32 $0x1E, s19;
	_ =	swait.ge [sflag:s25], $0x2800  }
0x7c: {  	s17 =	sadd.s32 $0x1E, s22;
	s18 =	sadd.s32 $0xF0, s23;
	[sflag:s25] =	ssyncset.done $0x0  }
0x7d: {  	s15 =	simm.s32 $0x3C0;
	s24 =	smov.u32 s19;
	[sflag:s25] =	ssyncadd.s32 $0xFFFFD800  }
.LBB2_4:
0x7e: {  	[tilespmem:s29], [sflag:$0x6] =	stream.linear.gather [hbm4b:s24+s4], $0x50, $0x38;
	[tilespmem:$0x1E100] =	vst v63  }
0x7f: {  	s20 =	smov.u32 s15;
	s24 =	smov.u32 s16  }
0x80: {  	p0 =	sne.s32 s15, $0x9240;
	s15 =	sadd.s32 $0x3C0, s15;
	_ =	swait.ge [sflag:s0], $0x2800  }
0x81: {  	s20 =	sshra.s32 s20, $0x2;
	[sflag:s0] =	ssyncset.done $0x0  }
0x82: {  	s21 =	sadd.s32 $0xA0, s20;
	[sflag:s0] =	ssyncadd.s32 $0xFFFFD800  }
0x83: {  	[tilespmem:s7], [sflag:$0x3] =	stream.indirect.gather [hbm4b:s2+s31], $0x80, s21, s31, $0xb8;
	[tilespmem:$0x1E100] =	vst v63  }
0x84: {  	_ =	swait.ge [sflag:s8], $0x50  }
0x85: {  	[sflag:s8] =	ssyncset.done $0x0  }
0x86: {  	[sflag:s8] =	ssyncadd.s32 $0xFFFFFFB0  }
0x87: {  	[spmem:s3] =	stream.indirect.scatter.add.f32 [tilespmem:s30], [sflag:$0x7], $0x80, s26, s31, $0xb8;
	[tilespmem:$0x1E100] =	vst v63  }
0x88: {  	_ =	swait.ge [sflag:s25], $0x2800  }
0x89: {  	s21 =	sshrl.u32 s18, $0x3;
	[sflag:s25] =	ssyncset.done $0x0  }
0x8a: {  	s21 =	sadd.s32 s5, s21;
	[sflag:s25] =	ssyncadd.s32 $0xFFFFD800  }
0x8b: {  	[tilespmem:s26], [sflag:$0x4] =	stream.linear.gather [hbm4b:s21+s4], $0x50, $0x38;
	[tilespmem:$0x1E100] =	vst v63  }
0x8c: {  	_ =	swait.ge [sflag:s9], $0x2800  }
0x8d: {  	[sflag:s9] =	ssyncset.done $0x0  }
0x8e: {  	s21 =	sadd.s32 $0xF0, s20;
	[sflag:s9] =	ssyncadd.s32 $0xFFFFD800  }
0x8f: {  	[tilespmem:s30], [sflag:$0x1] =	stream.indirect.gather [hbm4b:s2+s31], $0x80, s21, s31, $0xb8;
	[tilespmem:$0x1E100] =	vst v63  }
0x90: {  	_ =	swait.ge [sflag:s10], $0x50  }
0x91: {  	[sflag:s10] =	ssyncset.done $0x0  }
0x92: {  	[sflag:s10] =	ssyncadd.s32 $0xFFFFFFB0  }
0x93: {  	[spmem:s3] =	stream.indirect.scatter.add.f32 [tilespmem:s1], [sflag:$0x7], $0x80, s28, s31, $0xb8;
	[tilespmem:$0x1E100] =	vst v63  }
0x94: {  	_ =	swait.ge [sflag:s25], $0x2800  }
0x95: {  	[sflag:s25] =	ssyncset.done $0x0  }
0x96: {  	[sflag:s25] =	ssyncadd.s32 $0xFFFFD800  }
0x97: {  	[tilespmem:s28], [sflag:$0x5] =	stream.linear.gather [hbm4b:s17+s4], $0x50, $0x38;
	[tilespmem:$0x1E100] =	vst v63  }
0x98: {  	_ =	swait.ge [sflag:s12], $0x2800  }
0x99: {  	[sflag:s12] =	ssyncset.done $0x0  }
0x9a: {  	s20 =	sadd.s32 $0x140, s20;
	[sflag:s12] =	ssyncadd.s32 $0xFFFFD800  }
0x9b: {  	[tilespmem:s1], [sflag:$0x2] =	stream.indirect.gather [hbm4b:s2+s31], $0x80, s20, s31, $0xb8;
	[tilespmem:$0x1E100] =	vst v63  }
0x9c: {  	_ =	swait.ge [sflag:s13], $0x50  }
0x9d: {  	[sflag:s13] =	ssyncset.done $0x0  }
.Ltmp1:
0x9e: {  	[sflag:s13] =	ssyncadd.s32 $0xFFFFFFB0;
	(pc) =	sbr.rel @p0 .LBB2_4-.Ltmp1, $4  }
0x9f: {  	[spmem:s3] =	stream.indirect.scatter.add.f32 [tilespmem:s7], [sflag:$0x7], $0x80, s29, s31, $0xb8;
	[tilespmem:$0x1E100] =	vst v63  }
0xa0: {  	_ =	swait.ge [sflag:s25], $0x2800  }
0xa1: {  	s16 =	sadd.s32 $0x1E, s16;
	[sflag:s25] =	ssyncset.done $0x0  }
0xa2: {  	s18 =	sadd.s32 $0xF0, s18;
	s17 =	sadd.s32 $0x1E, s17;
	[sflag:s25] =	ssyncadd.s32 $0xFFFFD800  }
0xa3: {  	[tilespmem:s29], [sflag:$0x6] =	stream.linear.gather [hbm4b:s24+s4], $0x50, $0x38;
	[tilespmem:$0x1E100] =	vst v63  }
0xa4: {  	_ =	swait.ge [sflag:s0], $0x2800  }
0xa5: {  	[sflag:s0] =	ssyncset.done $0x0  }
0xa6: {  	s15 =	simm.s32 $0x2620;
	[sflag:s0] =	ssyncadd.s32 $0xFFFFD800  }
0xa7: {  	[tilespmem:s7], [sflag:$0x3] =	stream.indirect.gather [hbm4b:s2+s31], $0x80, s15, s31, $0xb8;
	[tilespmem:$0x1E100] =	vst v63  }
0xa8: {  	_ =	swait.ge [sflag:s8], $0x50  }
0xa9: {  	[sflag:s8] =	ssyncset.done $0x0  }
0xaa: {  	[sflag:s8] =	ssyncadd.s32 $0xFFFFFFB0  }
0xab: {  	[spmem:s3] =	stream.indirect.scatter.add.f32 [tilespmem:s30], [sflag:$0x7], $0x80, s26, s31, $0xb8;
	[tilespmem:$0x1E100] =	vst v63  }
0xac: {  	_ =	swait.ge [sflag:s25], $0x2800  }
0xad: {  	[sflag:s25] =	ssyncset.done $0x0  }
0xae: {  	s16 =	rddreg [dreg:$0x10];
	[sflag:s25] =	ssyncadd.s32 $0xFFFFD800  }
0xaf: {  	[tilespmem:s26], [sflag:$0x4] =	stream.linear.gather [hbm4b:s16+s4], $0x50, $0x38;
	[tilespmem:$0x1E100] =	vst v63  }
0xb0: {  	_ =	swait.ge [sflag:s9], $0x2800  }
0xb1: {  	[sflag:s9] =	ssyncset.done $0x0  }
0xb2: {  	s17 =	simm.s32 $0x2670;
	[sflag:s9] =	ssyncadd.s32 $0xFFFFD800  }
0xb3: {  	[tilespmem:s30], [sflag:$0x1] =	stream.indirect.gather [hbm4b:s2+s31], $0x80, s17, s31, $0xb8;
	[tilespmem:$0x1E100] =	vst v63  }
0xb4: {  	_ =	swait.ge [sflag:s10], $0x50  }
0xb5: {  	[sflag:s10] =	ssyncset.done $0x0  }
0xb6: {  	[sflag:s10] =	ssyncadd.s32 $0xFFFFFFB0  }
0xb7: {  	[spmem:s3] =	stream.indirect.scatter.add.f32 [tilespmem:s1], [sflag:$0x7], $0x80, s28, s31, $0xb8;
	[tilespmem:$0x1E100] =	vst v63  }
0xb8: {  	_ =	swait.ge [sflag:s25], $0x2800  }
0xb9: {  	[sflag:s25] =	ssyncset.done $0x0  }
0xba: {  	s18 =	rddreg [dreg:$0x11];
	[sflag:s25] =	ssyncadd.s32 $0xFFFFD800  }
0xbb: {  	[tilespmem:s28], [sflag:$0x5] =	stream.linear.gather [hbm4b:s18+s4], $0x50, $0x38;
	[tilespmem:$0x1E100] =	vst v63  }
0xbc: {  	_ =	swait.ge [sflag:s12], $0x2800  }
0xbd: {  	[sflag:s12] =	ssyncset.done $0x0  }
0xbe: {  	s20 =	simm.s32 $0x26C0;
	[sflag:s12] =	ssyncadd.s32 $0xFFFFD800  }
0xbf: {  	[tilespmem:s1], [sflag:$0x2] =	stream.indirect.gather [hbm4b:s2+s31], $0x80, s20, s31, $0xb8;
	[tilespmem:$0x1E100] =	vst v63  }
0xc0: {  	_ =	swait.ge [sflag:s13], $0x50  }
0xc1: {  	[sflag:s13] =	ssyncset.done $0x0  }
0xc2: {  	[sflag:s13] =	ssyncadd.s32 $0xFFFFFFB0  }
0xc3: {  	[spmem:s3] =	stream.indirect.scatter.add.f32 [tilespmem:s7], [sflag:$0x7], $0x80, s29, s31, $0xb8;
	[tilespmem:$0x1E100] =	vst v63  }
0xc4: {  	_ =	swait.ge [sflag:s25], $0x2800  }
0xc5: {  	[sflag:s25] =	ssyncset.done $0x0  }
0xc6: {  	[sflag:s25] =	ssyncadd.s32 $0xFFFFD800  }
0xc7: {  	_ =	swait.ge [sflag:s0], $0x2800  }
0xc8: {  	[sflag:s0] =	ssyncset.done $0x0  }
0xc9: {  	[sflag:s0] =	ssyncadd.s32 $0xFFFFD800  }
0xca: {  	_ =	swait.ge [sflag:s8], $0x50  }
0xcb: {  	[sflag:s8] =	ssyncset.done $0x0  }
0xcc: {  	[sflag:s8] =	ssyncadd.s32 $0xFFFFFFB0  }
0xcd: {  	[spmem:s3] =	stream.indirect.scatter.add.f32 [tilespmem:s30], [sflag:$0x7], $0x80, s26, s31, $0xb8;
	[tilespmem:$0x1E100] =	vst v63  }
0xce: {  	_ =	swait.ge [sflag:s25], $0x2800  }
0xcf: {  	[sflag:s25] =	ssyncset.done $0x0  }
0xd0: {  	[sflag:s25] =	ssyncadd.s32 $0xFFFFD800  }
0xd1: {  	_ =	swait.ge [sflag:s9], $0x2800  }
0xd2: {  	[sflag:s9] =	ssyncset.done $0x0  }
0xd3: {  	[sflag:s9] =	ssyncadd.s32 $0xFFFFD800  }
0xd4: {  	_ =	swait.ge [sflag:s10], $0x50  }
0xd5: {  	[sflag:s10] =	ssyncset.done $0x0  }
0xd6: {  	[sflag:s10] =	ssyncadd.s32 $0xFFFFFFB0  }
0xd7: {  	[spmem:s3] =	stream.indirect.scatter.add.f32 [tilespmem:s1], [sflag:$0x7], $0x80, s28, s31, $0xb8;
	[tilespmem:$0x1E100] =	vst v63  }
0xd8: {  	_ =	swait.ge [sflag:s25], $0x2800  }
0xd9: {  	[sflag:s25] =	ssyncset.done $0x0  }
0xda: {  	s21 =	stileid.u32;
	[sflag:s25] =	ssyncadd.s32 $0xFFFFD800  }
0xdb: {  	s15 =	sshll.u32 s21, $0x6;
	[bflag:$0x0] =	sbarrier.arrive $0xFFFF  }
0xdc: {  	s15 =	sor.u32 $0x1C07, s15;
	s16 =	sshrl.u32 s11, $0x3;
	s17 =	rddreg [dreg:$0x7]  }
0xdd: {  	[hbm:s17], [sflag:s15] =	dma.local [spmem:s16], $0x2800  }
0xde: {  	_ =	swait.ge [sflag:s25], $0x2800  }
0xdf: {  	s14 =	sadd.s32 $0x1, s14;
	s24 =	rddreg [dreg:$0x8]  }
0xe0: {  	p0 =	sne.s32 s14, s24  }
.Ltmp2:
0xe1: {  	_ = 	snop;
	(pc) =	sbr.rel @p0 .LBB2_1-.Ltmp2, $3  }
0xe2: {  	_ =	sdelay $0x1  }
0xe3: {  	[sflag:s25] =	ssyncset.done $0x0  }
0xe4: {  	[sflag:s25] =	ssyncadd.s32 $0xFFFFD800  }
0xe5: {  	_ =	sfence.sel $0x180000  }
0xe6: {  	[bflag:$0x0] =	sbarrier.arrive $0xFFFF  }
0xe7: {  	_ =	strace $0x9000004A  }
0xe8: {  	s0 =	stileid.u32;
	[bflag:$0x2] =	sbarrier.arrive $0xFFFF  }
0xe9: {  	p0 =	sne.s32 s0, $0x0;
	s0 =	rddreg [dreg:$0x3]  }
0xea: {  	s0 =	sadd.s32 @!p0 $0x100000, s0  }
0xeb: {  	[sflag:s0] =	ssyncadd.tile.s32 @!p0 $0x1;
	_ =	shalt  }
.Lfunc_end2:
_tile_overlayer_lowered:
.L_overlay_start_2:
0xec: {  	(tag) =	ssettag $0x2  }
0xed: {  	s0 =	rddreg [dreg:$0x0];
	s2 =	stileid.u32  }
0xee: {  	s1 =	rddreg [dreg:$0x1];
	p0 =	sne.s32 s2, $0x0  }
0xef: {  	s3 =	rddreg [dreg:$0x2];
	[bflag:$0x3] =	sbarrier.arrive $0xFFFF;
	s2 =	simm.s32 @!p0 $0x1C07  }
0xf0: {  	[timem:s3], [sflag:s2] =	dma.local @!p0 [hbm:s0], s1  }
0xf1: {  	s0 =	simm.s32 @!p0 $0x7  }
0xf2: {  	_ =	swait.ge @!p0 [sflag:s0], s1  }
0xf3: {  	s1 =	ssub.s32 @!p0 $0x0, s1;
	[sflag:s0] =	ssyncset.done @!p0 $0x0  }
0xf4: {  	[sflag:s0] =	ssyncadd.s32 @!p0 s1  }
0xf5: {  	[bflag:$0x3] =	sbarrier.arrive $0xFFFF  }
0xf6: {  	_ =	shalt  }

// kernel: _run.14.cloned.1.call-start
scs
__scs_entry_jumppad:
0x0: {  	(pc) =	sbr.rel $0x88, $3  }
0x1: {  	(tag) =	ssettag $0x0;
	lr =	simm.s32 $0x1  }
0x2: {  	[smem:$0x3F9B] =	sst lr;
	_ =	strace $0xD0000000  }
0x3: {  	_ = 	snop  }
0x4: {  	_ = 	snop  }
0x5: {  	_ = 	snop  }
0x6: {  	_ = 	snop  }
0x7: {  	_ = 	snop  }
__scs_overlays_trampoline_lowered:
0x8: {  	[smem:$0x3FAA] =	sst s0  }
0x9: {  	[smem:$0x3FAB] =	sst s1  }
0xa: {  	[smem:$0x3FAC] =	sst s2  }
0xb: {  	[smem:$0x3FAD] =	sst s3  }
0xc: {  	[smem:$0x3FAE] =	sst s4  }
0xd: {  	[smem:$0x3FAF] =	sst s5  }
0xe: {  	[smem:$0x3FB0] =	sst s6  }
0xf: {  	[smem:$0x3FB1] =	sst s7  }
0x10: {  	[smem:$0x3FB2] =	sst s8  }
0x11: {  	[smem:$0x3FB3] =	sst s9;
	s0 =	simm.s32 @!p0 $0x0  }
0x12: {  	s1 =	sld [smem:$0x3F99];
	s0 =	simm.s32 @p0 $0x1  }
0x13: {  	[smem:$0x3FB4] =	sst s0;
	s0 =	simm.s32 @!p1 $0x0  }
0x14: {  	s2 =	sld [smem:$0x3F98];
	s0 =	simm.s32 @p1 $0x1  }
0x15: {  	[smem:$0x3FB5] =	sst s0;
	s0 =	simm.s32 @!p2 $0x0  }
0x16: {  	s3 =	sld [smem:$0x3FDB];
	s0 =	simm.s32 @p2 $0x1  }
0x17: {  	s4 =	simm.s32 $0x1BF5;
	[smem:$0x3FB7] =	sst s0  }
0x18: {  	s0 =	sld [smem:$0x3F9A];
	_ =	swait.ge [sflag:s4], $0x0  }
0x19: {  	s7 =	sld [smem:$0x3F9B]  }
0x1a: {  	s8 =	sadd.s32 $0xFFFFE003, lr  }
0x1b: {  	s9 =	sadd.s32 $0xFFFFFEF7, lr;
	s5 =	simm.s32 $0xFFFFFFFF;
	p2 =	slt.u32 s8, $0xFFFFF086  }
0x1c: {  	p1 =	slt.u32 s9, $0xF7A;
	s5 =	simm.s32 @!p2 $0x0  }
0x1d: {  	s5 =	simm.s32 @p1 $0x1;
	p0 =	seq.s32 s7, s2  }
0x1e: {  	s7 =	smul.u32 @!p0 $0xF7A, s2;
	p2 =	seq.s32 @!p0 s5, $0x0  }
0x1f: {  	s9 =	smul.u32 $0xF7A, s1;
	s8 =	simm.s32 @!p0 $0x1BF5;
	p2 =	por !p2, p0  }
0x20: {  	[sflag:s8] =	ssyncset.s32 @!p0 $0xFFFFF086;
	s6 =	sadd.s32 @!p0 s3, s7;
	s7 =	simm.s32 @!p0 $0x108  }
0x21: {  	s3 =	sadd.s32 s3, s9;
	s6 =	sadd.s32 @!p0 $0x88, s6;
	s7 =	simm.s32 @p2 $0x1082  }
0x22: {  	[simem:s7], [sflag:s8] =	dma.local @!p0 [hbm:s6], $0xF7A  }
0x23: {  	s9 =	sor.u32 $0xD0000000, s2;
	s6 =	simm.s32 $0x108;
	_ =	swait.ge @!p0 [sflag:s8], $0x0  }
0x24: {  	s3 =	sadd.s32 $0x88, s3;
	s6 =	simm.s32 @!p1 $0x1082;
	[sflag:s4] =	ssyncset.s32 $0xFFFFF086  }
0x25: {  	[simem:s6], [sflag:s4] =	dma.local [hbm:s3], $0xF7A  }
0x26: {  	[smem:$0x3F9B] =	sst s1;
	(tag) =	ssettag s2;
	_ =	strace s9  }
0x27: {  	s1 =	sld [smem:$0x3FAB]  }
0x28: {  	s2 =	sld [smem:$0x3FAC]  }
0x29: {  	s4 =	sld [smem:$0x3FAE]  }
0x2a: {  	p0 =	seq.s32 s5, $0x0;
	s5 =	sld [smem:$0x3FAF]  }
0x2b: {  	s6 =	sld [smem:$0x3FB0]  }
0x2c: {  	s7 =	sld [smem:$0x3FB1]  }
0x2d: {  	s3 =	simm.s32 $0x108;
	s8 =	sld [smem:$0x3FB2]  }
0x2e: {  	s3 =	simm.s32 @!p0 $0x1082;
	s9 =	sld [smem:$0x3FB3]  }
0x2f: {  	lr =	sadd.s32 s0, s3;
	s0 =	sld [smem:$0x3FAA]  }
0x30: {  	s3 =	sld [smem:$0x3FAD]  }
0x31: {  	[smem:$0x3FB6] =	sst s10  }
0x32: {  	s10 =	sld [smem:$0x3FB4];
	_ =	sdelay $0x3  }
0x33: {  	p0 =	seq.s32 s10, $0x1;
	s10 =	sld [smem:$0x3FB6];
	_ =	sdelay $0x3  }
0x34: {  	[smem:$0x3FB6] =	sst s10  }
0x35: {  	s10 =	sld [smem:$0x3FB5];
	_ =	sdelay $0x3  }
0x36: {  	p1 =	seq.s32 s10, $0x1;
	s10 =	sld [smem:$0x3FB6];
	_ =	sdelay $0x3  }
0x37: {  	[smem:$0x3FB6] =	sst s10  }
0x38: {  	s10 =	sld [smem:$0x3FB7]  }
0x39: {  	_ = 	snop;
	(pc) =	sbr.ind lr, $3  }
0x3a: {  	_ = 	snop  }
0x3b: {  	_ = 	snop  }
0x3c: {  	p2 =	seq.s32 s10, $0x1;
	s10 =	sld [smem:$0x3FB6]  }
0x3d: {  	_ =	shalt  }
0x3e: {  	_ =	shalt  }
0x3f: {  	_ =	shalt  }
0x40: {  	_ =	shalt  }
0x41: {  	_ =	shalt  }
0x42: {  	_ =	shalt  }
0x43: {  	_ =	shalt  }
0x44: {  	_ =	shalt  }
0x45: {  	_ =	shalt  }
0x46: {  	_ =	shalt  }
0x47: {  	_ =	shalt  }
0x48: {  	_ =	shalt  }
0x49: {  	_ =	shalt  }
0x4a: {  	_ =	shalt  }
0x4b: {  	_ =	shalt  }
0x4c: {  	_ =	shalt  }
0x4d: {  	_ =	shalt  }
0x4e: {  	_ =	shalt  }
0x4f: {  	_ =	shalt  }
0x50: {  	_ =	shalt  }
0x51: {  	_ =	shalt  }
0x52: {  	_ =	shalt  }
0x53: {  	_ =	shalt  }
0x54: {  	_ =	shalt  }
0x55: {  	_ =	shalt  }
0x56: {  	_ =	shalt  }
0x57: {  	_ =	shalt  }
0x58: {  	_ =	shalt  }
0x59: {  	_ =	shalt  }
0x5a: {  	_ =	shalt  }
0x5b: {  	_ =	shalt  }
0x5c: {  	_ =	shalt  }
0x5d: {  	_ =	shalt  }
0x5e: {  	_ =	shalt  }
0x5f: {  	_ =	shalt  }
0x60: {  	_ =	shalt  }
0x61: {  	_ =	shalt  }
0x62: {  	_ =	shalt  }
0x63: {  	_ =	shalt  }
0x64: {  	_ =	shalt  }
0x65: {  	_ =	shalt  }
0x66: {  	_ =	shalt  }
0x67: {  	_ =	shalt  }
0x68: {  	_ =	shalt  }
0x69: {  	_ =	shalt  }
0x6a: {  	_ =	shalt  }
0x6b: {  	_ =	shalt  }
0x6c: {  	_ =	shalt  }
0x6d: {  	_ =	shalt  }
0x6e: {  	_ =	shalt  }
0x6f: {  	_ =	shalt  }
0x70: {  	_ =	shalt  }
0x71: {  	_ =	shalt  }
0x72: {  	_ =	shalt  }
0x73: {  	_ =	shalt  }
0x74: {  	_ =	shalt  }
0x75: {  	_ =	shalt  }
0x76: {  	_ =	shalt  }
0x77: {  	_ =	shalt  }
0x78: {  	_ =	shalt  }
0x79: {  	_ =	shalt  }
0x7a: {  	_ =	shalt  }
0x7b: {  	_ =	shalt  }
0x7c: {  	_ =	shalt  }
0x7d: {  	_ =	shalt  }
0x7e: {  	_ =	shalt  }
0x7f: {  	_ =	shalt  }
0x80: {  	_ =	shalt  }
0x81: {  	_ =	shalt  }
0x82: {  	_ =	shalt  }
0x83: {  	_ =	shalt  }
0x84: {  	_ =	shalt  }
0x85: {  	_ =	shalt  }
0x86: {  	_ =	shalt  }
0x87: {  	_ =	shalt  }
.Lfunc_end0:
.L_simem_size_0:
called_computation.2_lowered:
.L_overlay_start_0:
0x88: {  	s2 =	sld [smem:$0x3FD9]  }
0x89: {  	s3 =	sld [smem:$0x3FFE];
	_ =	sdelay $0x1  }
0x8a: {  	s1 =	srdreg.scid  }
0x8b: {  	s0 =	sand.u32 $0x1, s1  }
0x8c: {  	s17 =	sshll.u32 s0, $0xA;
	s2 =	sadd.s32 s3, s2  }
0x8d: {  	s2 =	sadd.s32 s2, s17  }
0x8e: {  	[smem:$0x3FC2] =	sst s2  }
0x8f: {  	_ = 	snop  }
0x90: {  	s2 =	sld [smem:$0x3FD0];
	(tm) =	ssettm $0x1  }
0x91: {  	s18 =	sld [smem:$0x3FFB];
	_ =	sdelay $0x3  }
0x92: {  	_ =	strace s18  }
0x93: {  	s3 =	sld [smem:$0x3FFC];
	_ =	sdelay $0x3  }
0x94: {  	_ =	strace s3  }
0x95: {  	s3 =	sld [smem:$0x3FFD];
	_ =	sdelay $0x3  }
0x96: {  	_ =	strace s3  }
0x97: {  	_ =	strace $0x8FFFFFFF  }
0x98: {  	s19 =	sld [smem:$0x3FDB];
	_ =	sdelay $0x1  }
0x99: {  	s4 =	simm.s32 $_scs_section_size  }
0x9a: {  	s5 =	simm.s32 $_size__tile_overlayer_lowered;
	s6 =	simm.s32 $_tile_overlayer_lowered  }
0x9b: {  	s22 =	simm.s32 $0x1BFF;
	s21 =	sshll.u32 s6, $0x1;
	s3 =	sadd.s32 s4, s19  }
0x9c: {  	s7 =	simm.s32 $0x0;
	s20 =	sshll.u32 s5, $0x1;
	s5 =	sadd.s32 s21, s3  }
0x9d: {  	[timem:s7], [sflag:s22] =	dma.local [hbm:s5], s20  }
0x9e: {  	_ =	swait.ge [sflag:s22], s20  }
0x9f: {  	s4 =	ssub.s32 $0x0, s20;
	[sflag:s22] =	ssyncset.done $0x0  }
0xa0: {  	[sflag:s22] =	ssyncadd.s32 s4;
	_ =	sdelay $0x1  }
0xa1: {  	s23 =	simm.s32 $0x1B8B  }
0xa2: {  	_ =	swait.ge [sflag:s23], $0x1  }
0xa3: {  	[sflag:s23] =	ssyncset.done $0x0  }
0xa4: {  	s25 =	simm.s32 $0x1B8E;
	s24 =	sld [smem:$0x3FFE];
	[sflag:s23] =	ssyncadd.s32 $0xFFFFFFFF  }
0xa5: {  	s26 =	simm.s32 $execute0_lowered;
	[smem:$0x3FD2] =	sst s25  }
0xa6: {  	s5 =	sshll.u32 s26, $0x1;
	_ =	strace $0x8000004C;
	[dreg:$0x1] =	wrdreg $0xFFFFFFFF  }
0xa7: {  	s28 =	simm.s32 $_size_execute0_lowered;
	s3 =	sadd.s32 s3, s5;
	[dreg:$0x0] =	wrdreg $0x0  }
0xa8: {  	s5 =	sshll.u32 s28, $0x1;
	[dreg:$0x2] =	wrdreg s3  }
0xa9: {  	[dreg:$0x3] =	wrdreg s5  }
0xaa: {  	[dreg:$0x4] =	wrdreg $0xC0  }
0xab: {  	_ =	task [dreg:s7], $0x5FFFF  }
0xac: {  	[dreg:$0x1] =	wrdreg $0xFFFFFFFF  }
0xad: {  	[dreg:$0x0] =	wrdreg $0x60  }
0xae: {  	[dreg:$0x2] =	wrdreg s2  }
0xaf: {  	[dreg:$0x3] =	wrdreg s24  }
0xb0: {  	[dreg:$0x4] =	wrdreg $0xA1000  }
0xb1: {  	[dreg:$0x5] =	wrdreg $0x9  }
0xb2: {  	_ =	task.clear_ibuf [dreg:s7], $0x6FFFF;
	_ =	strace $0x9000004C  }
0xb3: {  	s29 =	simm.s32 $0x9;
	_ =	strace $0x8000004E  }
0xb4: {  	_ =	swait.ge [sflag:s29], $0x1  }
0xb5: {  	[sflag:s29] =	ssyncadd.s32 $0xFFFFFFFF  }
0xb6: {  	_ =	strace $0x9000004E  }
0xb7: {  	_ =	sfence  }
0xb8: {  	s30 =	sld [smem:$0x0];
	_ =	sdelay $0x2  }
0xb9: {  	s31 =	sshll.u32 s1, $0xD;
	s1 =	sshrl.u32 s1, $0x2  }
0xba: {  	s3 =	sand.u32 $0x4000, s31;
	s1 =	sadd.s32 s1, s30  }
0xbb: {  	s0 =	sor.u32 s3, s0;
	s1 =	sshll.u32 s1, $0x11  }
0xbc: {  	s0 =	sor.u32 s1, s0  }
0xbd: {  	s0 =	sadd.s32 $0x8F2B, s0  }
0xbe: {  	[sflag:s0] =	ssyncadd.remote.s32 $0x1  }
0xbf: {  	_ =	sfence.sel $0xFFFF  }
0xc0: {  	[dreg:$0x0] =	wrdreg $0xFFFFFFFF;
	(pc) =	sbr.abs _section_cstart, $3  }
0xc1: {  	[dreg:$0x1] =	wrdreg $0xFFFFFFFF  }
0xc2: {  	_ =	task.clear_ibuf [dreg:s7], $0x2FFFF;
	_ =	strace $0x9FFFFFFF  }
0xc3: {  	(tm) =	ssettm $0x7FFFFFFF  }
tec
execute0_lowered:
.L_overlay_start_1:
0x0: {  	(tag) =	ssettag $0x1  }
0x1: {  	s2 =	rddreg [dreg:$0x0]  }
0x2: {  	s0 =	srdreg.scid;
	s6 =	rddreg [dreg:$0x1]  }
0x3: {  	s12 =	stileid.u32;
	s3 =	rddreg [dreg:$0x2]  }
0x4: {  	s4 =	simm.s32 $0x0;
	s28 =	simm.s32 $0x2800;
	s7 =	smul.u32 $0x14000, s12  }
0x5: {  	s29 =	simm.s32 $0x2880;
	s30 =	simm.s32 $0x2900;
	s26 =	smul.u32 $0x50000, s12  }
0x6: {  	s31 =	simm.s32 $0x50;
	s0 =	sand.u32 $0x1, s0;
	s15 =	smul.u32 $0x4E20, s12  }
0x7: {  	s1 =	sshll.u32 s12, $0x1;
	[smem:$0x7FF] =	sst s4;
	s5 =	smul.u32 $0x140000, s0  }
0x8: {  	s1 =	sor.u32 s0, s1;
	s9 =	ssub.s32 $0x2, s0;
	s0 =	smul.u32 $0x2710, s0  }
0x9: {  	s12 =	simm.s32 $0x3;
	s1 =	smul.u32 $0x2710, s1;
	s10 =	sshrl.u32 s9, $0x1  }
0xa: {  	_ =	strace $0x8000004D;
	s5 =	sadd.s32 s7, s5;
	s9 =	ssub.s32 s9, s10  }
0xb: {  	s0 =	sadd.s32 s0, s15;
	s1 =	sshrl.u32 s1, $0x3;
	s8 =	sshrl.u32 s5, $0x3  }
0xc: {  	s5 =	sadd.s32 $0x2400, s6;
	s14 =	smax.u32 s9, $0x1;
	s24 =	sadd.s32 $0x140, s0  }
0xd: {  	s9 =	simm.s32 $0x2;
	s25 =	sadd.s32 s1, s6;
	s8 =	sadd.s32 s8, s6  }
0xe: {  	s6 =	sadd.s32 s5, s1;
	[dreg:$0x8] =	wrdreg s14;
	s7 =	sadd.s32 $0xC200, s25  }
0xf: {  	s1 =	sshrl.u32 s26, $0x2;
	s10 =	sadd.s32 $0xA, s6;
	[dreg:$0x4] =	wrdreg s7  }
0x10: {  	s14 =	simm.s32 $0x0;
	s11 =	sadd.s32 $0x14, s6;
	[dreg:$0x5] =	wrdreg s10  }
0x11: {  	s13 =	sadd.s32 $0x16000, s8;
	s23 =	sadd.s32 $0x4CE, s6;
	[dreg:$0x6] =	wrdreg s11  }
0x12: {  	s25 =	sadd.s32 $0x190, s0;
	s26 =	sadd.s32 $0x4D8, s6;
	[dreg:$0x7] =	wrdreg s13  }
0x13: {  	s8 =	simm.s32 $0x4;
	s11 =	sadd.s32 s1, s3;
	[dreg:$0x10] =	wrdreg s23  }
0x14: {  	[dreg:$0x11] =	wrdreg s26;
	s1 =	sshrl.u32 s24, $0x3;
	s16 =	sadd.s32 $0x2800, s11  }
0x15: {  	s7 =	sshrl.u32 s25, $0x3;
	s17 =	sadd.s32 $0x5000, s11;
	[dreg:$0x9] =	wrdreg s16  }
0x16: {  	s23 =	sadd.s32 $0xF0, s0;
	s18 =	sadd.s32 $0x7800, s11;
	[dreg:$0xa] =	wrdreg s17  }
0x17: {  	s25 =	simm.s32 $0x7;
	s19 =	sadd.s32 $0xA000, s11;
	[dreg:$0xb] =	wrdreg s18  }
0x18: {  	s26 =	simm.s32 $0x2780;
	s20 =	sadd.s32 $0xC800, s11;
	[dreg:$0xc] =	wrdreg s19  }
0x19: {  	s0 =	simm.s32 $0x1;
	s21 =	sadd.s32 $0xF000, s11;
	[dreg:$0xd] =	wrdreg s20  }
0x1a: {  	s10 =	simm.s32 $0x5;
	s22 =	sadd.s32 $0x11800, s11;
	[dreg:$0xe] =	wrdreg s21  }
0x1b: {  	s13 =	simm.s32 $0x6;
	[dreg:$0xf] =	wrdreg s22;
	s22 =	sadd.s32 s1, s5  }
0x1c: {  	v0 =	vimm.f32 $0.0e+00;
	s19 =	sadd.s32 s7, s5;
	s1 =	simm.s32 $0x5100;
	s7 =	simm.s32 $0x7900  }
.LBB2_1:
0x1d: {  	s15 =	rddreg [dreg:$0x4]  }
0x1e: {  	[tilespmem:s4], [sflag:$0x7] =	stream.linear.gather [hbm4b:s15+s4], $0x2710, $0x38;
	[tilespmem:$0x1E100] =	vst v63  }
0x1f: {  	_ =	swait.ge [sflag:s25], $0x2710  }
0x20: {  	[sflag:s25] =	ssyncset.done $0x0  }
0x21: {  	[sflag:s25] =	ssyncadd.s32 $0xFFFFD8F0  }
0x22: {  	[tilespmem:s26], [sflag:$0x4] =	stream.linear.gather [hbm4b:s6+s4], $0x50, $0x38;
	[tilespmem:$0x1E100] =	vst v63  }
0x23: {  	s21 =	rddreg [dreg:$0x5]  }
0x24: {  	[tilespmem:s28], [sflag:$0x5] =	stream.linear.gather [hbm4b:s21+s4], $0x50, $0x38;
	[tilespmem:$0x1E100] =	vst v63  }
0x25: {  	s16 =	simm.s32 $0x3C0;
	s15 =	simm.s32 $0x70;
	s24 =	rddreg [dreg:$0x6]  }
0x26: {  	[tilespmem:s29], [sflag:$0x6] =	stream.linear.gather [hbm4b:s24+s4], $0x50, $0x38;
	[tilespmem:$0x1E100] =	vst v63  }
.LBB2_2:
0x27: {  	p0 =	sne.s32 s16, $0x9FC0;
	[tilespmem:s15+$0x2900] =	vst v0  }
0x28: {  	[tilespmem:s15+$0x2890] =	vst v0  }
0x29: {  	[tilespmem:s15+$0x28A0] =	vst v0  }
.Ltmp0:
0x2a: {  	[tilespmem:s15+$0x28B0] =	vst v0;
	(pc) =	sbr.rel @p0 .LBB2_2-.Ltmp0, $4  }
0x2b: {  	[tilespmem:s15+$0x28C0] =	vst v0  }
0x2c: {  	[tilespmem:s15+$0x28D0] =	vst v0  }
0x2d: {  	[tilespmem:s15+$0x28E0] =	vst v0  }
0x2e: {  	[tilespmem:s15+$0x28F0] =	vst v0;
	s15 =	sshra.s32 s16, $0x2;
	s16 =	sadd.s32 $0x200, s16  }
0x2f: {  	[tilespmem:s15+$0x2900] =	vst v0  }
0x30: {  	[tilespmem:s15+$0x2890] =	vst v0  }
0x31: {  	[tilespmem:s15+$0x28A0] =	vst v0  }
0x32: {  	[tilespmem:s15+$0x28B0] =	vst v0  }
0x33: {  	[tilespmem:s15+$0x28C0] =	vst v0  }
0x34: {  	[tilespmem:s15+$0x28D0] =	vst v0  }
0x35: {  	[tilespmem:s15+$0x28E0] =	vst v0  }
0x36: {  	[tilespmem:s15+$0x28F0] =	vst v0  }
0x37: {  	[spmem:s11] =	stream.linear.scatter [tilespmem:s30], [sflag:$0x7], $0x2800, $0x38;
	[tilespmem:$0x1E100] =	vst v63  }
0x38: {  	_ =	swait.ge [sflag:s25], $0x2800  }
0x39: {  	[sflag:s25] =	ssyncset.done $0x0  }
0x3a: {  	s16 =	rddreg [dreg:$0x9];
	[sflag:s25] =	ssyncadd.s32 $0xFFFFD800  }
0x3b: {  	[spmem:s16] =	stream.linear.scatter [tilespmem:s30], [sflag:$0x7], $0x2800, $0x38;
	[tilespmem:$0x1E100] =	vst v63  }
0x3c: {  	_ =	swait.ge [sflag:s25], $0x2800  }
0x3d: {  	[sflag:s25] =	ssyncset.done $0x0  }
0x3e: {  	s17 =	rddreg [dreg:$0xa];
	[sflag:s25] =	ssyncadd.s32 $0xFFFFD800  }
0x3f: {  	[spmem:s17] =	stream.linear.scatter [tilespmem:s30], [sflag:$0x7], $0x2800, $0x38;
	[tilespmem:$0x1E100] =	vst v63  }
0x40: {  	_ =	swait.ge [sflag:s25], $0x2800  }
0x41: {  	[sflag:s25] =	ssyncset.done $0x0  }
0x42: {  	s18 =	rddreg [dreg:$0xb];
	[sflag:s25] =	ssyncadd.s32 $0xFFFFD800  }
0x43: {  	[spmem:s18] =	stream.linear.scatter [tilespmem:s30], [sflag:$0x7], $0x2800, $0x38;
	[tilespmem:$0x1E100] =	vst v63  }
0x44: {  	_ =	swait.ge [sflag:s25], $0x2800  }
0x45: {  	[sflag:s25] =	ssyncset.done $0x0  }
0x46: {  	s20 =	rddreg [dreg:$0xc];
	[sflag:s25] =	ssyncadd.s32 $0xFFFFD800  }
0x47: {  	[spmem:s20] =	stream.linear.scatter [tilespmem:s30], [sflag:$0x7], $0x2800, $0x38;
	[tilespmem:$0x1E100] =	vst v63  }
0x48: {  	_ =	swait.ge [sflag:s25], $0x2800  }
0x49: {  	[sflag:s25] =	ssyncset.done $0x0  }
0x4a: {  	s21 =	rddreg [dreg:$0xd];
	[sflag:s25] =	ssyncadd.s32 $0xFFFFD800  }
0x4b: {  	[spmem:s21] =	stream.linear.scatter [tilespmem:s30], [sflag:$0x7], $0x2800, $0x38;
	[tilespmem:$0x1E100] =	vst v63  }
0x4c: {  	_ =	swait.ge [sflag:s25], $0x2800  }
0x4d: {  	[sflag:s25] =	ssyncset.done $0x0  }
0x4e: {  	s24 =	rddreg [dreg:$0xe];
	[sflag:s25] =	ssyncadd.s32 $0xFFFFD800  }
0x4f: {  	[spmem:s24] =	stream.linear.scatter [tilespmem:s30], [sflag:$0x7], $0x2800, $0x38;
	[tilespmem:$0x1E100] =	vst v63  }
0x50: {  	_ =	swait.ge [sflag:s25], $0x2800  }
0x51: {  	[sflag:s25] =	ssyncset.done $0x0  }
0x52: {  	s16 =	rddreg [dreg:$0xf];
	[sflag:s25] =	ssyncadd.s32 $0xFFFFD800  }
0x53: {  	[spmem:s16] =	stream.linear.scatter [tilespmem:s30], [sflag:$0x7], $0x2800, $0x38;
	[tilespmem:$0x1E100] =	vst v63  }
0x54: {  	_ =	swait.ge [sflag:s25], $0x2800  }
0x55: {  	[sflag:s25] =	ssyncset.done $0x0  }
0x56: {  	[sflag:s25] =	ssyncadd.s32 $0xFFFFD800  }
0x57: {  	s17 =	simm.s32 $0x0;
	[bflag:$0x0] =	sbarrier.arrive $0xFFFF  }
0x58: {  	[tilespmem:s30], [sflag:$0x1] =	stream.indirect.gather [hbm4b:s2+s31], $0x80, s17, s31, $0xb8;
	[tilespmem:$0x1E100] =	vst v63  }
0x59: {  	_ = 	snop  }
0x5a: {  	[tilespmem:s1], [sflag:$0x2] =	stream.indirect.gather [hbm4b:s2+s31], $0x80, s31, s31, $0xb8;
	[tilespmem:$0x1E100] =	vst v63  }
0x5b: {  	_ =	swait.ge [sflag:s0], $0x2800  }
0x5c: {  	[sflag:s0] =	ssyncset.done $0x0  }
0x5d: {  	s18 =	simm.s32 $0xA0;
	[sflag:s0] =	ssyncadd.s32 $0xFFFFD800  }
0x5e: {  	[tilespmem:s7], [sflag:$0x3] =	stream.indirect.gather [hbm4b:s2+s31], $0x80, s18, s31, $0xb8;
	[tilespmem:$0x1E100] =	vst v63  }
0x5f: {  	_ =	swait.ge [sflag:s8], $0x50  }
0x60: {  	[sflag:s8] =	ssyncset.done $0x0  }
0x61: {  	[sflag:s8] =	ssyncadd.s32 $0xFFFFFFB0  }
0x62: {  	[spmem:s3] =	stream.indirect.scatter.add.f32 [tilespmem:s30], [sflag:$0x7], $0x80, s26, s31, $0xb8;
	[tilespmem:$0x1E100] =	vst v63  }
0x63: {  	_ =	swait.ge [sflag:s25], $0x2800  }
0x64: {  	s20 =	sshrl.u32 s23, $0x3;
	[sflag:s25] =	ssyncset.done $0x0  }
0x65: {  	s15 =	sadd.s32 s5, s20;
	[sflag:s25] =	ssyncadd.s32 $0xFFFFD800  }
0x66: {  	[tilespmem:s26], [sflag:$0x4] =	stream.linear.gather [hbm4b:s15+s4], $0x50, $0x38;
	[tilespmem:$0x1E100] =	vst v63  }
0x67: {  	_ =	swait.ge [sflag:s9], $0x2800  }
0x68: {  	[sflag:s9] =	ssyncset.done $0x0  }
0x69: {  	s21 =	simm.s32 $0xF0;
	[sflag:s9] =	ssyncadd.s32 $0xFFFFD800  }
0x6a: {  	[tilespmem:s30], [sflag:$0x1] =	stream.indirect.gather [hbm4b:s2+s31], $0x80, s21, s31, $0xb8;
	[tilespmem:$0x1E100] =	vst v63  }
0x6b: {  	_ =	swait.ge [sflag:s10], $0x50  }
0x6c: {  	[sflag:s10] =	ssyncset.done $0x0  }
0x6d: {  	[sflag:s10] =	ssyncadd.s32 $0xFFFFFFB0  }
0x6e: {  	[spmem:s3] =	stream.indirect.scatter.add.f32 [tilespmem:s1], [sflag:$0x7], $0x80, s28, s31, $0xb8;
	[tilespmem:$0x1E100] =	vst v63  }
0x6f: {  	_ =	swait.ge [sflag:s25], $0x2800  }
0x70: {  	[sflag:s25] =	ssyncset.done $0x0  }
0x71: {  	[sflag:s25] =	ssyncadd.s32 $0xFFFFD800  }
0x72: {  	[tilespmem:s28], [sflag:$0x5] =	stream.linear.gather [hbm4b:s22+s4], $0x50, $0x38;
	[tilespmem:$0x1E100] =	vst v63  }
0x73: {  	_ =	swait.ge [sflag:s12], $0x2800  }
0x74: {  	[sflag:s12] =	ssyncset.done $0x0  }
0x75: {  	s24 =	simm.s32 $0x140;
	[sflag:s12] =	ssyncadd.s32 $0xFFFFD800  }
0x76: {  	[tilespmem:s1], [sflag:$0x2] =	stream.indirect.gather [hbm4b:s2+s31], $0x80, s24, s31, $0xb8;
	[tilespmem:$0x1E100] =	vst v63  }
0x77: {  	_ =	swait.ge [sflag:s13], $0x50  }
0x78: {  	[sflag:s13] =	ssyncset.done $0x0  }
0x79: {  	[sflag:s13] =	ssyncadd.s32 $0xFFFFFFB0  }
0x7a: {  	[spmem:s3] =	stream.indirect.scatter.add.f32 [tilespmem:s7], [sflag:$0x7], $0x80, s29, s31, $0xb8;
	[tilespmem:$0x1E100] =	vst v63  }
0x7b: {  	s16 =	sadd.s32 $0x1E, s19;
	_ =	swait.ge [sflag:s25], $0x2800  }
0x7c: {  	s17 =	sadd.s32 $0x1E, s22;
	s18 =	sadd.s32 $0xF0, s23;
	[sflag:s25] =	ssyncset.done $0x0  }
0x7d: {  	s15 =	simm.s32 $0x3C0;
	s24 =	smov.u32 s19;
	[sflag:s25] =	ssyncadd.s32 $0xFFFFD800  }
.LBB2_4:
0x7e: {  	[tilespmem:s29], [sflag:$0x6] =	stream.linear.gather [hbm4b:s24+s4], $0x50, $0x38;
	[tilespmem:$0x1E100] =	vst v63  }
0x7f: {  	s20 =	smov.u32 s15;
	s24 =	smov.u32 s16  }
0x80: {  	p0 =	sne.s32 s15, $0x9240;
	s15 =	sadd.s32 $0x3C0, s15;
	_ =	swait.ge [sflag:s0], $0x2800  }
0x81: {  	s20 =	sshra.s32 s20, $0x2;
	[sflag:s0] =	ssyncset.done $0x0  }
0x82: {  	s21 =	sadd.s32 $0xA0, s20;
	[sflag:s0] =	ssyncadd.s32 $0xFFFFD800  }
0x83: {  	[tilespmem:s7], [sflag:$0x3] =	stream.indirect.gather [hbm4b:s2+s31], $0x80, s21, s31, $0xb8;
	[tilespmem:$0x1E100] =	vst v63  }
0x84: {  	_ =	swait.ge [sflag:s8], $0x50  }
0x85: {  	[sflag:s8] =	ssyncset.done $0x0  }
0x86: {  	[sflag:s8] =	ssyncadd.s32 $0xFFFFFFB0  }
0x87: {  	[spmem:s3] =	stream.indirect.scatter.add.f32 [tilespmem:s30], [sflag:$0x7], $0x80, s26, s31, $0xb8;
	[tilespmem:$0x1E100] =	vst v63  }
0x88: {  	_ =	swait.ge [sflag:s25], $0x2800  }
0x89: {  	s21 =	sshrl.u32 s18, $0x3;
	[sflag:s25] =	ssyncset.done $0x0  }
0x8a: {  	s21 =	sadd.s32 s5, s21;
	[sflag:s25] =	ssyncadd.s32 $0xFFFFD800  }
0x8b: {  	[tilespmem:s26], [sflag:$0x4] =	stream.linear.gather [hbm4b:s21+s4], $0x50, $0x38;
	[tilespmem:$0x1E100] =	vst v63  }
0x8c: {  	_ =	swait.ge [sflag:s9], $0x2800  }
0x8d: {  	[sflag:s9] =	ssyncset.done $0x0  }
0x8e: {  	s21 =	sadd.s32 $0xF0, s20;
	[sflag:s9] =	ssyncadd.s32 $0xFFFFD800  }
0x8f: {  	[tilespmem:s30], [sflag:$0x1] =	stream.indirect.gather [hbm4b:s2+s31], $0x80, s21, s31, $0xb8;
	[tilespmem:$0x1E100] =	vst v63  }
0x90: {  	_ =	swait.ge [sflag:s10], $0x50  }
0x91: {  	[sflag:s10] =	ssyncset.done $0x0  }
0x92: {  	[sflag:s10] =	ssyncadd.s32 $0xFFFFFFB0  }
0x93: {  	[spmem:s3] =	stream.indirect.scatter.add.f32 [tilespmem:s1], [sflag:$0x7], $0x80, s28, s31, $0xb8;
	[tilespmem:$0x1E100] =	vst v63  }
0x94: {  	_ =	swait.ge [sflag:s25], $0x2800  }
0x95: {  	[sflag:s25] =	ssyncset.done $0x0  }
0x96: {  	[sflag:s25] =	ssyncadd.s32 $0xFFFFD800  }
0x97: {  	[tilespmem:s28], [sflag:$0x5] =	stream.linear.gather [hbm4b:s17+s4], $0x50, $0x38;
	[tilespmem:$0x1E100] =	vst v63  }
0x98: {  	_ =	swait.ge [sflag:s12], $0x2800  }
0x99: {  	[sflag:s12] =	ssyncset.done $0x0  }
0x9a: {  	s20 =	sadd.s32 $0x140, s20;
	[sflag:s12] =	ssyncadd.s32 $0xFFFFD800  }
0x9b: {  	[tilespmem:s1], [sflag:$0x2] =	stream.indirect.gather [hbm4b:s2+s31], $0x80, s20, s31, $0xb8;
	[tilespmem:$0x1E100] =	vst v63  }
0x9c: {  	_ =	swait.ge [sflag:s13], $0x50  }
0x9d: {  	[sflag:s13] =	ssyncset.done $0x0  }
.Ltmp1:
0x9e: {  	[sflag:s13] =	ssyncadd.s32 $0xFFFFFFB0;
	(pc) =	sbr.rel @p0 .LBB2_4-.Ltmp1, $4  }
0x9f: {  	[spmem:s3] =	stream.indirect.scatter.add.f32 [tilespmem:s7], [sflag:$0x7], $0x80, s29, s31, $0xb8;
	[tilespmem:$0x1E100] =	vst v63  }
0xa0: {  	_ =	swait.ge [sflag:s25], $0x2800  }
0xa1: {  	s16 =	sadd.s32 $0x1E, s16;
	[sflag:s25] =	ssyncset.done $0x0  }
0xa2: {  	s18 =	sadd.s32 $0xF0, s18;
	s17 =	sadd.s32 $0x1E, s17;
	[sflag:s25] =	ssyncadd.s32 $0xFFFFD800  }
0xa3: {  	[tilespmem:s29], [sflag:$0x6] =	stream.linear.gather [hbm4b:s24+s4], $0x50, $0x38;
	[tilespmem:$0x1E100] =	vst v63  }
0xa4: {  	_ =	swait.ge [sflag:s0], $0x2800  }
0xa5: {  	[sflag:s0] =	ssyncset.done $0x0  }
0xa6: {  	s15 =	simm.s32 $0x2620;
	[sflag:s0] =	ssyncadd.s32 $0xFFFFD800  }
0xa7: {  	[tilespmem:s7], [sflag:$0x3] =	stream.indirect.gather [hbm4b:s2+s31], $0x80, s15, s31, $0xb8;
	[tilespmem:$0x1E100] =	vst v63  }
0xa8: {  	_ =	swait.ge [sflag:s8], $0x50  }
0xa9: {  	[sflag:s8] =	ssyncset.done $0x0  }
0xaa: {  	[sflag:s8] =	ssyncadd.s32 $0xFFFFFFB0  }
0xab: {  	[spmem:s3] =	stream.indirect.scatter.add.f32 [tilespmem:s30], [sflag:$0x7], $0x80, s26, s31, $0xb8;
	[tilespmem:$0x1E100] =	vst v63  }
0xac: {  	_ =	swait.ge [sflag:s25], $0x2800  }
0xad: {  	[sflag:s25] =	ssyncset.done $0x0  }
0xae: {  	s16 =	rddreg [dreg:$0x10];
	[sflag:s25] =	ssyncadd.s32 $0xFFFFD800  }
0xaf: {  	[tilespmem:s26], [sflag:$0x4] =	stream.linear.gather [hbm4b:s16+s4], $0x50, $0x38;
	[tilespmem:$0x1E100] =	vst v63  }
0xb0: {  	_ =	swait.ge [sflag:s9], $0x2800  }
0xb1: {  	[sflag:s9] =	ssyncset.done $0x0  }
0xb2: {  	s17 =	simm.s32 $0x2670;
	[sflag:s9] =	ssyncadd.s32 $0xFFFFD800  }
0xb3: {  	[tilespmem:s30], [sflag:$0x1] =	stream.indirect.gather [hbm4b:s2+s31], $0x80, s17, s31, $0xb8;
	[tilespmem:$0x1E100] =	vst v63  }
0xb4: {  	_ =	swait.ge [sflag:s10], $0x50  }
0xb5: {  	[sflag:s10] =	ssyncset.done $0x0  }
0xb6: {  	[sflag:s10] =	ssyncadd.s32 $0xFFFFFFB0  }
0xb7: {  	[spmem:s3] =	stream.indirect.scatter.add.f32 [tilespmem:s1], [sflag:$0x7], $0x80, s28, s31, $0xb8;
	[tilespmem:$0x1E100] =	vst v63  }
0xb8: {  	_ =	swait.ge [sflag:s25], $0x2800  }
0xb9: {  	[sflag:s25] =	ssyncset.done $0x0  }
0xba: {  	s18 =	rddreg [dreg:$0x11];
	[sflag:s25] =	ssyncadd.s32 $0xFFFFD800  }
0xbb: {  	[tilespmem:s28], [sflag:$0x5] =	stream.linear.gather [hbm4b:s18+s4], $0x50, $0x38;
	[tilespmem:$0x1E100] =	vst v63  }
0xbc: {  	_ =	swait.ge [sflag:s12], $0x2800  }
0xbd: {  	[sflag:s12] =	ssyncset.done $0x0  }
0xbe: {  	s20 =	simm.s32 $0x26C0;
	[sflag:s12] =	ssyncadd.s32 $0xFFFFD800  }
0xbf: {  	[tilespmem:s1], [sflag:$0x2] =	stream.indirect.gather [hbm4b:s2+s31], $0x80, s20, s31, $0xb8;
	[tilespmem:$0x1E100] =	vst v63  }
0xc0: {  	_ =	swait.ge [sflag:s13], $0x50  }
0xc1: {  	[sflag:s13] =	ssyncset.done $0x0  }
0xc2: {  	[sflag:s13] =	ssyncadd.s32 $0xFFFFFFB0  }
0xc3: {  	[spmem:s3] =	stream.indirect.scatter.add.f32 [tilespmem:s7], [sflag:$0x7], $0x80, s29, s31, $0xb8;
	[tilespmem:$0x1E100] =	vst v63  }
0xc4: {  	_ =	swait.ge [sflag:s25], $0x2800  }
0xc5: {  	[sflag:s25] =	ssyncset.done $0x0  }
0xc6: {  	[sflag:s25] =	ssyncadd.s32 $0xFFFFD800  }
0xc7: {  	_ =	swait.ge [sflag:s0], $0x2800  }
0xc8: {  	[sflag:s0] =	ssyncset.done $0x0  }
0xc9: {  	[sflag:s0] =	ssyncadd.s32 $0xFFFFD800  }
0xca: {  	_ =	swait.ge [sflag:s8], $0x50  }
0xcb: {  	[sflag:s8] =	ssyncset.done $0x0  }
0xcc: {  	[sflag:s8] =	ssyncadd.s32 $0xFFFFFFB0  }
0xcd: {  	[spmem:s3] =	stream.indirect.scatter.add.f32 [tilespmem:s30], [sflag:$0x7], $0x80, s26, s31, $0xb8;
	[tilespmem:$0x1E100] =	vst v63  }
0xce: {  	_ =	swait.ge [sflag:s25], $0x2800  }
0xcf: {  	[sflag:s25] =	ssyncset.done $0x0  }
0xd0: {  	[sflag:s25] =	ssyncadd.s32 $0xFFFFD800  }
0xd1: {  	_ =	swait.ge [sflag:s9], $0x2800  }
0xd2: {  	[sflag:s9] =	ssyncset.done $0x0  }
0xd3: {  	[sflag:s9] =	ssyncadd.s32 $0xFFFFD800  }
0xd4: {  	_ =	swait.ge [sflag:s10], $0x50  }
0xd5: {  	[sflag:s10] =	ssyncset.done $0x0  }
0xd6: {  	[sflag:s10] =	ssyncadd.s32 $0xFFFFFFB0  }
0xd7: {  	[spmem:s3] =	stream.indirect.scatter.add.f32 [tilespmem:s1], [sflag:$0x7], $0x80, s28, s31, $0xb8;
	[tilespmem:$0x1E100] =	vst v63  }
0xd8: {  	_ =	swait.ge [sflag:s25], $0x2800  }
0xd9: {  	[sflag:s25] =	ssyncset.done $0x0  }
0xda: {  	s21 =	stileid.u32;
	[sflag:s25] =	ssyncadd.s32 $0xFFFFD800  }
0xdb: {  	s15 =	sshll.u32 s21, $0x6;
	[bflag:$0x0] =	sbarrier.arrive $0xFFFF  }
0xdc: {  	s15 =	sor.u32 $0x1C07, s15;
	s16 =	sshrl.u32 s11, $0x3;
	s17 =	rddreg [dreg:$0x7]  }
0xdd: {  	[hbm:s17], [sflag:s15] =	dma.local [spmem:s16], $0x2800  }
0xde: {  	_ =	swait.ge [sflag:s25], $0x2800  }
0xdf: {  	s14 =	sadd.s32 $0x1, s14;
	s24 =	rddreg [dreg:$0x8]  }
0xe0: {  	p0 =	sne.s32 s14, s24  }
.Ltmp2:
0xe1: {  	_ = 	snop;
	(pc) =	sbr.rel @p0 .LBB2_1-.Ltmp2, $3  }
0xe2: {  	_ =	sdelay $0x1  }
0xe3: {  	[sflag:s25] =	ssyncset.done $0x0  }
0xe4: {  	[sflag:s25] =	ssyncadd.s32 $0xFFFFD800  }
0xe5: {  	_ =	sfence.sel $0x180000  }
0xe6: {  	[bflag:$0x0] =	sbarrier.arrive $0xFFFF  }
0xe7: {  	_ =	strace $0x9000004D  }
0xe8: {  	s0 =	stileid.u32;
	[bflag:$0x2] =	sbarrier.arrive $0xFFFF  }
0xe9: {  	p0 =	sne.s32 s0, $0x0;
	s0 =	rddreg [dreg:$0x3]  }
0xea: {  	s0 =	sadd.s32 @!p0 $0x100000, s0  }
0xeb: {  	[sflag:s0] =	ssyncadd.tile.s32 @!p0 $0x1;
	_ =	shalt  }
.Lfunc_end2:
_tile_overlayer_lowered:
.L_overlay_start_2:
0xec: {  	(tag) =	ssettag $0x2  }
0xed: {  	s0 =	rddreg [dreg:$0x0];
	s2 =	stileid.u32  }
0xee: {  	s1 =	rddreg [dreg:$0x1];
	p0 =	sne.s32 s2, $0x0  }
0xef: {  	s3 =	rddreg [dreg:$0x2];
	[bflag:$0x3] =	sbarrier.arrive $0xFFFF;
	s2 =	simm.s32 @!p0 $0x1C07  }
0xf0: {  	[timem:s3], [sflag:s2] =	dma.local @!p0 [hbm:s0], s1  }
0xf1: {  	s0 =	simm.s32 @!p0 $0x7  }
0xf2: {  	_ =	swait.ge @!p0 [sflag:s0], s1  }
0xf3: {  	s1 =	ssub.s32 @!p0 $0x0, s1;
	[sflag:s0] =	ssyncset.done @!p0 $0x0  }
0xf4: {  	[sflag:s0] =	ssyncadd.s32 @!p0 s1  }
0xf5: {  	[bflag:$0x3] =	sbarrier.arrive $0xFFFF  }
0xf6: {  	_ =	shalt  }

// kernel: _run.8.cloned.1.call-start
scs
__scs_entry_jumppad:
0x0: {  	(pc) =	sbr.rel $0x88, $3  }
0x1: {  	(tag) =	ssettag $0x0;
	lr =	simm.s32 $0x1  }
0x2: {  	[smem:$0x3F9B] =	sst lr;
	_ =	strace $0xD0000000  }
0x3: {  	_ = 	snop  }
0x4: {  	_ = 	snop  }
0x5: {  	_ = 	snop  }
0x6: {  	_ = 	snop  }
0x7: {  	_ = 	snop  }
__scs_overlays_trampoline_lowered:
0x8: {  	[smem:$0x3FAA] =	sst s0  }
0x9: {  	[smem:$0x3FAB] =	sst s1  }
0xa: {  	[smem:$0x3FAC] =	sst s2  }
0xb: {  	[smem:$0x3FAD] =	sst s3  }
0xc: {  	[smem:$0x3FAE] =	sst s4  }
0xd: {  	[smem:$0x3FAF] =	sst s5  }
0xe: {  	[smem:$0x3FB0] =	sst s6  }
0xf: {  	[smem:$0x3FB1] =	sst s7  }
0x10: {  	[smem:$0x3FB2] =	sst s8  }
0x11: {  	[smem:$0x3FB3] =	sst s9;
	s0 =	simm.s32 @!p0 $0x0  }
0x12: {  	s1 =	sld [smem:$0x3F99];
	s0 =	simm.s32 @p0 $0x1  }
0x13: {  	[smem:$0x3FB4] =	sst s0;
	s0 =	simm.s32 @!p1 $0x0  }
0x14: {  	s2 =	sld [smem:$0x3F98];
	s0 =	simm.s32 @p1 $0x1  }
0x15: {  	[smem:$0x3FB5] =	sst s0;
	s0 =	simm.s32 @!p2 $0x0  }
0x16: {  	s3 =	sld [smem:$0x3FDB];
	s0 =	simm.s32 @p2 $0x1  }
0x17: {  	s4 =	simm.s32 $0x1BF5;
	[smem:$0x3FB7] =	sst s0  }
0x18: {  	s0 =	sld [smem:$0x3F9A];
	_ =	swait.ge [sflag:s4], $0x0  }
0x19: {  	s7 =	sld [smem:$0x3F9B]  }
0x1a: {  	s8 =	sadd.s32 $0xFFFFE003, lr  }
0x1b: {  	s9 =	sadd.s32 $0xFFFFFEF7, lr;
	s5 =	simm.s32 $0xFFFFFFFF;
	p2 =	slt.u32 s8, $0xFFFFF086  }
0x1c: {  	p1 =	slt.u32 s9, $0xF7A;
	s5 =	simm.s32 @!p2 $0x0  }
0x1d: {  	s5 =	simm.s32 @p1 $0x1;
	p0 =	seq.s32 s7, s2  }
0x1e: {  	s7 =	smul.u32 @!p0 $0xF7A, s2;
	p2 =	seq.s32 @!p0 s5, $0x0  }
0x1f: {  	s9 =	smul.u32 $0xF7A, s1;
	s8 =	simm.s32 @!p0 $0x1BF5;
	p2 =	por !p2, p0  }
0x20: {  	[sflag:s8] =	ssyncset.s32 @!p0 $0xFFFFF086;
	s6 =	sadd.s32 @!p0 s3, s7;
	s7 =	simm.s32 @!p0 $0x108  }
0x21: {  	s3 =	sadd.s32 s3, s9;
	s6 =	sadd.s32 @!p0 $0x88, s6;
	s7 =	simm.s32 @p2 $0x1082  }
0x22: {  	[simem:s7], [sflag:s8] =	dma.local @!p0 [hbm:s6], $0xF7A  }
0x23: {  	s9 =	sor.u32 $0xD0000000, s2;
	s6 =	simm.s32 $0x108;
	_ =	swait.ge @!p0 [sflag:s8], $0x0  }
0x24: {  	s3 =	sadd.s32 $0x88, s3;
	s6 =	simm.s32 @!p1 $0x1082;
	[sflag:s4] =	ssyncset.s32 $0xFFFFF086  }
0x25: {  	[simem:s6], [sflag:s4] =	dma.local [hbm:s3], $0xF7A  }
0x26: {  	[smem:$0x3F9B] =	sst s1;
	(tag) =	ssettag s2;
	_ =	strace s9  }
0x27: {  	s1 =	sld [smem:$0x3FAB]  }
0x28: {  	s2 =	sld [smem:$0x3FAC]  }
0x29: {  	s4 =	sld [smem:$0x3FAE]  }
0x2a: {  	p0 =	seq.s32 s5, $0x0;
	s5 =	sld [smem:$0x3FAF]  }
0x2b: {  	s6 =	sld [smem:$0x3FB0]  }
0x2c: {  	s7 =	sld [smem:$0x3FB1]  }
0x2d: {  	s3 =	simm.s32 $0x108;
	s8 =	sld [smem:$0x3FB2]  }
0x2e: {  	s3 =	simm.s32 @!p0 $0x1082;
	s9 =	sld [smem:$0x3FB3]  }
0x2f: {  	lr =	sadd.s32 s0, s3;
	s0 =	sld [smem:$0x3FAA]  }
0x30: {  	s3 =	sld [smem:$0x3FAD]  }
0x31: {  	[smem:$0x3FB6] =	sst s10  }
0x32: {  	s10 =	sld [smem:$0x3FB4];
	_ =	sdelay $0x3  }
0x33: {  	p0 =	seq.s32 s10, $0x1;
	s10 =	sld [smem:$0x3FB6];
	_ =	sdelay $0x3  }
0x34: {  	[smem:$0x3FB6] =	sst s10  }
0x35: {  	s10 =	sld [smem:$0x3FB5];
	_ =	sdelay $0x3  }
0x36: {  	p1 =	seq.s32 s10, $0x1;
	s10 =	sld [smem:$0x3FB6];
	_ =	sdelay $0x3  }
0x37: {  	[smem:$0x3FB6] =	sst s10  }
0x38: {  	s10 =	sld [smem:$0x3FB7]  }
0x39: {  	_ = 	snop;
	(pc) =	sbr.ind lr, $3  }
0x3a: {  	_ = 	snop  }
0x3b: {  	_ = 	snop  }
0x3c: {  	p2 =	seq.s32 s10, $0x1;
	s10 =	sld [smem:$0x3FB6]  }
0x3d: {  	_ =	shalt  }
0x3e: {  	_ =	shalt  }
0x3f: {  	_ =	shalt  }
0x40: {  	_ =	shalt  }
0x41: {  	_ =	shalt  }
0x42: {  	_ =	shalt  }
0x43: {  	_ =	shalt  }
0x44: {  	_ =	shalt  }
0x45: {  	_ =	shalt  }
0x46: {  	_ =	shalt  }
0x47: {  	_ =	shalt  }
0x48: {  	_ =	shalt  }
0x49: {  	_ =	shalt  }
0x4a: {  	_ =	shalt  }
0x4b: {  	_ =	shalt  }
0x4c: {  	_ =	shalt  }
0x4d: {  	_ =	shalt  }
0x4e: {  	_ =	shalt  }
0x4f: {  	_ =	shalt  }
0x50: {  	_ =	shalt  }
0x51: {  	_ =	shalt  }
0x52: {  	_ =	shalt  }
0x53: {  	_ =	shalt  }
0x54: {  	_ =	shalt  }
0x55: {  	_ =	shalt  }
0x56: {  	_ =	shalt  }
0x57: {  	_ =	shalt  }
0x58: {  	_ =	shalt  }
0x59: {  	_ =	shalt  }
0x5a: {  	_ =	shalt  }
0x5b: {  	_ =	shalt  }
0x5c: {  	_ =	shalt  }
0x5d: {  	_ =	shalt  }
0x5e: {  	_ =	shalt  }
0x5f: {  	_ =	shalt  }
0x60: {  	_ =	shalt  }
0x61: {  	_ =	shalt  }
0x62: {  	_ =	shalt  }
0x63: {  	_ =	shalt  }
0x64: {  	_ =	shalt  }
0x65: {  	_ =	shalt  }
0x66: {  	_ =	shalt  }
0x67: {  	_ =	shalt  }
0x68: {  	_ =	shalt  }
0x69: {  	_ =	shalt  }
0x6a: {  	_ =	shalt  }
0x6b: {  	_ =	shalt  }
0x6c: {  	_ =	shalt  }
0x6d: {  	_ =	shalt  }
0x6e: {  	_ =	shalt  }
0x6f: {  	_ =	shalt  }
0x70: {  	_ =	shalt  }
0x71: {  	_ =	shalt  }
0x72: {  	_ =	shalt  }
0x73: {  	_ =	shalt  }
0x74: {  	_ =	shalt  }
0x75: {  	_ =	shalt  }
0x76: {  	_ =	shalt  }
0x77: {  	_ =	shalt  }
0x78: {  	_ =	shalt  }
0x79: {  	_ =	shalt  }
0x7a: {  	_ =	shalt  }
0x7b: {  	_ =	shalt  }
0x7c: {  	_ =	shalt  }
0x7d: {  	_ =	shalt  }
0x7e: {  	_ =	shalt  }
0x7f: {  	_ =	shalt  }
0x80: {  	_ =	shalt  }
0x81: {  	_ =	shalt  }
0x82: {  	_ =	shalt  }
0x83: {  	_ =	shalt  }
0x84: {  	_ =	shalt  }
0x85: {  	_ =	shalt  }
0x86: {  	_ =	shalt  }
0x87: {  	_ =	shalt  }
.Lfunc_end0:
.L_simem_size_0:
called_computation_lowered:
.L_overlay_start_0:
0x88: {  	s2 =	sld [smem:$0x3FD9]  }
0x89: {  	s3 =	sld [smem:$0x3FFE];
	_ =	sdelay $0x1  }
0x8a: {  	s1 =	srdreg.scid  }
0x8b: {  	s0 =	sand.u32 $0x1, s1  }
0x8c: {  	s17 =	sshll.u32 s0, $0xA;
	s2 =	sadd.s32 s3, s2  }
0x8d: {  	s2 =	sadd.s32 s2, s17  }
0x8e: {  	[smem:$0x3FC2] =	sst s2  }
0x8f: {  	_ = 	snop  }
0x90: {  	s2 =	sld [smem:$0x3FD0];
	(tm) =	ssettm $0x1  }
0x91: {  	s18 =	sld [smem:$0x3FFB];
	_ =	sdelay $0x3  }
0x92: {  	_ =	strace s18  }
0x93: {  	s3 =	sld [smem:$0x3FFC];
	_ =	sdelay $0x3  }
0x94: {  	_ =	strace s3  }
0x95: {  	s3 =	sld [smem:$0x3FFD];
	_ =	sdelay $0x3  }
0x96: {  	_ =	strace s3  }
0x97: {  	_ =	strace $0x8FFFFFFF  }
0x98: {  	s19 =	sld [smem:$0x3FDB];
	_ =	sdelay $0x1  }
0x99: {  	s4 =	simm.s32 $_scs_section_size  }
0x9a: {  	s5 =	simm.s32 $_size__tile_overlayer_lowered;
	s6 =	simm.s32 $_tile_overlayer_lowered  }
0x9b: {  	s22 =	simm.s32 $0x1BFF;
	s21 =	sshll.u32 s6, $0x1;
	s3 =	sadd.s32 s4, s19  }
0x9c: {  	s7 =	simm.s32 $0x0;
	s20 =	sshll.u32 s5, $0x1;
	s5 =	sadd.s32 s21, s3  }
0x9d: {  	[timem:s7], [sflag:s22] =	dma.local [hbm:s5], s20  }
0x9e: {  	_ =	swait.ge [sflag:s22], s20  }
0x9f: {  	s4 =	ssub.s32 $0x0, s20;
	[sflag:s22] =	ssyncset.done $0x0  }
0xa0: {  	[sflag:s22] =	ssyncadd.s32 s4;
	_ =	sdelay $0x1  }
0xa1: {  	s23 =	simm.s32 $0x1B8B  }
0xa2: {  	_ =	swait.ge [sflag:s23], $0x1  }
0xa3: {  	[sflag:s23] =	ssyncset.done $0x0  }
0xa4: {  	s25 =	simm.s32 $0x1B8E;
	s24 =	sld [smem:$0x3FFE];
	[sflag:s23] =	ssyncadd.s32 $0xFFFFFFFF  }
0xa5: {  	s26 =	simm.s32 $execute0_lowered;
	[smem:$0x3FD2] =	sst s25  }
0xa6: {  	s5 =	sshll.u32 s26, $0x1;
	_ =	strace $0x80000046;
	[dreg:$0x1] =	wrdreg $0xFFFFFFFF  }
0xa7: {  	s28 =	simm.s32 $_size_execute0_lowered;
	s3 =	sadd.s32 s3, s5;
	[dreg:$0x0] =	wrdreg $0x0  }
0xa8: {  	s5 =	sshll.u32 s28, $0x1;
	[dreg:$0x2] =	wrdreg s3  }
0xa9: {  	[dreg:$0x3] =	wrdreg s5  }
0xaa: {  	[dreg:$0x4] =	wrdreg $0xC0  }
0xab: {  	_ =	task [dreg:s7], $0x5FFFF  }
0xac: {  	[dreg:$0x1] =	wrdreg $0xFFFFFFFF  }
0xad: {  	[dreg:$0x0] =	wrdreg $0x60  }
0xae: {  	[dreg:$0x2] =	wrdreg s24  }
0xaf: {  	[dreg:$0x3] =	wrdreg s2  }
0xb0: {  	[dreg:$0x4] =	wrdreg $0x9  }
0xb1: {  	_ =	task.clear_ibuf [dreg:s7], $0x5FFFF;
	_ =	strace $0x90000046  }
0xb2: {  	s29 =	simm.s32 $0x9;
	_ =	strace $0x80000048  }
0xb3: {  	_ =	swait.ge [sflag:s29], $0x1  }
0xb4: {  	[sflag:s29] =	ssyncadd.s32 $0xFFFFFFFF  }
0xb5: {  	_ =	strace $0x90000048  }
0xb6: {  	_ =	sfence  }
0xb7: {  	s30 =	sld [smem:$0x0];
	_ =	sdelay $0x2  }
0xb8: {  	s31 =	sshll.u32 s1, $0xD;
	s1 =	sshrl.u32 s1, $0x2  }
0xb9: {  	s3 =	sand.u32 $0x4000, s31;
	s1 =	sadd.s32 s1, s30  }
0xba: {  	s0 =	sor.u32 s3, s0;
	s1 =	sshll.u32 s1, $0x11  }
0xbb: {  	s0 =	sor.u32 s1, s0  }
0xbc: {  	s0 =	sadd.s32 $0x8F2B, s0  }
0xbd: {  	[sflag:s0] =	ssyncadd.remote.s32 $0x1  }
0xbe: {  	_ =	sfence.sel $0xFFFF  }
0xbf: {  	[dreg:$0x0] =	wrdreg $0xFFFFFFFF;
	(pc) =	sbr.abs _section_cstart, $3  }
0xc0: {  	[dreg:$0x1] =	wrdreg $0xFFFFFFFF  }
0xc1: {  	_ =	task.clear_ibuf [dreg:s7], $0x2FFFF;
	_ =	strace $0x9FFFFFFF  }
0xc2: {  	(tm) =	ssettm $0x7FFFFFFF  }
0xc3: {  	_ =	shalt  }
tec
execute0_lowered:
.L_overlay_start_1:
0x0: {  	(tag) =	ssettag $0x1  }
0x1: {  	s3 =	rddreg [dreg:$0x0]  }
0x2: {  	s13 =	rddreg [dreg:$0x1];
	s2 =	srdreg.scid  }
0x3: {  	s1 =	stileid.u32;
	s0 =	rddreg [dreg:$0x2];
	s19 =	simm.s32 $0x2  }
0x4: {  	s20 =	simm.s32 $0x3800;
	s21 =	simm.s32 $0x80;
	s22 =	simm.s32 $0x400  }
0x5: {  	s23 =	simm.s32 $0x3;
	s24 =	simm.s32 $0x0;
	s4 =	sand.u32 $0x1, s2  }
0x6: {  	s5 =	sshll.u32 s1, $0x1;
	s2 =	simm.s32 $0x0;
	s6 =	sshrl.u32 s1, $0x2  }
0x7: {  	s8 =	sadd.s32 $0xC200, s3;
	s12 =	sadd.s32 $0x2400, s3;
	s5 =	sor.u32 s4, s5  }
0x8: {  	[smem:$0x7FF] =	sst s2;
	s6 =	smul.u32 $0x14000, s6;
	s7 =	sshll.u32 s5, $0x7  }
0x9: {  	s4 =	ssub.s32 $0x2, s4;
	s5 =	smul.u32 $0x2710, s5;
	s7 =	sand.u32 $0x380, s7  }
0xa: {  	_ =	strace $0x80000047;
	s31 =	sshrl.u32 s4, $0x1;
	s6 =	sor.u32 s6, s7  }
0xb: {  	s16 =	ssub.s32 s4, s31;
	s9 =	sshrl.u32 s5, $0x3;
	s14 =	sshrl.u32 s6, $0x3  }
0xc: {  	s10 =	sadd.s32 $0xFA, s9;
	s11 =	sadd.s32 $0x1F4, s9;
	s17 =	sadd.s32 $0x2EE, s9  }
0xd: {  	s18 =	sadd.s32 $0x3E8, s9;
	s15 =	sadd.s32 s14, s3;
	s3 =	sadd.s32 s8, s9  }
0xe: {  	s4 =	sadd.s32 s8, s10;
	s5 =	sadd.s32 s8, s11;
	s6 =	sadd.s32 s8, s17  }
0xf: {  	s7 =	sadd.s32 s8, s18;
	s8 =	sadd.s32 s12, s9;
	s9 =	sadd.s32 s12, s10  }
0x10: {  	s10 =	sadd.s32 s12, s11;
	s11 =	sadd.s32 s12, s17;
	s12 =	sadd.s32 s12, s18  }
0x11: {  	s13 =	sadd.s32 s13, s14;
	s17 =	simm.s32 $0x800;
	s18 =	simm.s32 $0x1000  }
0x12: {  	v0 =	vimm.f32 $0.0e+00;
	v1 =	vimm.f32 $1.000000000e+00;
	s14 =	sadd.s32 $0x16000, s15;
	s15 =	smax.u32 s16, $0x1;
	s16 =	simm.s32 $0x1  }
.LBB2_1:
0x13: {  	[tilespmem:s2], [sflag:$0x1] =	stream.linear.gather [hbm4b:s3+s2], $0x7D0, $0x38;
	[tilespmem:$0x6000] =	vst v63  }
0x14: {  	s25 =	simm.s32 $0x40;
	s26 =	simm.s32 $0x0  }
.LBB2_2:
0x15: {  	p0 =	sne.s32 s25, $0x9FC0;
	[tilespmem:s26+$0x1000] =	vst v0;
	s28 =	smov.u32 s25;
	s25 =	sadd.s32 $0x40, s25  }
.Ltmp0:
0x16: {  	[tilespmem:s26+$0x3800] =	vst v0;
	(pc) =	sbr.rel @p0 .LBB2_2-.Ltmp0, $2  }
0x17: {  	_ =	sdelay $0x2  }
0x18: {  	s26 =	sshra.s32 s28, $0x2  }
0x19: {  	[tilespmem:s26+$0x1000] =	vst v0  }
0x1a: {  	[tilespmem:s26+$0x3800] =	vst v0  }
0x1b: {  	_ =	swait.ge [sflag:s16], $0x7D0  }
0x1c: {  	[sflag:s16] =	ssyncset.done $0x0  }
0x1d: {  	s25 =	simm.s32 $0x0;
	[sflag:s16] =	ssyncadd.s32 $0xFFFFF830  }
0x1e: {  	[tilespmem:s17], [sflag:$0x2] =	stream.linear.gather [hbm4b:s4+s25], $0x7D0, $0x38;
	[tilespmem:$0x6000] =	vst v63  }
0x1f: {  	s26 =	simm.s32 $0x0;
	s25 =	simm.s32 $0x40  }
.LBB2_4:
0x20: {  	p0 =	sne.s32 s25, $0x1F00;
	v2 =	vld [tilespmem:s26+$0x0];
	_ =	sdelay $0x3  }
.Ltmp1:
0x21: {  	(pc) =	sbr.rel @p0 .LBB2_4-.Ltmp1, $2  }
0x22: {  	_ =	sdelay $0x2  }
0x23: {  	s26 =	sshra.s32 s25, $0x2;
	s25 =	sadd.s32 $0x40, s25;
	[tilespmem:v2+s18+$0x0] =	vst.idx.add.f32.msk $0xffff, v1  }
0x24: {  	v2 =	vld [tilespmem:s26+$0x0];
	_ =	sdelay $0x7  }
0x25: {  	[tilespmem:v2+s18+$0x0] =	vst.idx.add.f32.msk $0xffff, v1  }
0x26: {  	_ =	swait.ge [sflag:s19], $0x7D0  }
0x27: {  	[sflag:s19] =	ssyncset.done $0x0  }
0x28: {  	s25 =	simm.s32 $0x0;
	[sflag:s19] =	ssyncadd.s32 $0xFFFFF830  }
0x29: {  	[tilespmem:s25], [sflag:$0x1] =	stream.linear.gather [hbm4b:s5+s25], $0x7D0, $0x38;
	[tilespmem:$0x6000] =	vst v63  }
0x2a: {  	s26 =	simm.s32 $0x0;
	s25 =	simm.s32 $0x40  }
.LBB2_6:
0x2b: {  	p0 =	sne.s32 s25, $0x1F00;
	v2 =	vld [tilespmem:s26+$0x800];
	_ =	sdelay $0x3  }
.Ltmp2:
0x2c: {  	(pc) =	sbr.rel @p0 .LBB2_6-.Ltmp2, $2  }
0x2d: {  	_ =	sdelay $0x2  }
0x2e: {  	s26 =	sshra.s32 s25, $0x2;
	s25 =	sadd.s32 $0x40, s25;
	[tilespmem:v2+s18+$0x0] =	vst.idx.add.f32.msk $0xffff, v1  }
0x2f: {  	v2 =	vld [tilespmem:s26+$0x800];
	_ =	sdelay $0x7  }
0x30: {  	[tilespmem:v2+s18+$0x0] =	vst.idx.add.f32.msk $0xffff, v1  }
0x31: {  	_ =	swait.ge [sflag:s16], $0x7D0  }
0x32: {  	[sflag:s16] =	ssyncset.done $0x0  }
0x33: {  	s25 =	simm.s32 $0x0;
	[sflag:s16] =	ssyncadd.s32 $0xFFFFF830  }
0x34: {  	[tilespmem:s17], [sflag:$0x2] =	stream.linear.gather [hbm4b:s6+s25], $0x7D0, $0x38;
	[tilespmem:$0x6000] =	vst v63  }
0x35: {  	s26 =	simm.s32 $0x0;
	s25 =	simm.s32 $0x40  }
.LBB2_8:
0x36: {  	p0 =	sne.s32 s25, $0x1F00;
	v2 =	vld [tilespmem:s26+$0x0];
	_ =	sdelay $0x3  }
.Ltmp3:
0x37: {  	(pc) =	sbr.rel @p0 .LBB2_8-.Ltmp3, $2  }
0x38: {  	_ =	sdelay $0x2  }
0x39: {  	s26 =	sshra.s32 s25, $0x2;
	s25 =	sadd.s32 $0x40, s25;
	[tilespmem:v2+s18+$0x0] =	vst.idx.add.f32.msk $0xffff, v1  }
0x3a: {  	v2 =	vld [tilespmem:s26+$0x0];
	_ =	sdelay $0x7  }
0x3b: {  	[tilespmem:v2+s18+$0x0] =	vst.idx.add.f32.msk $0xffff, v1  }
0x3c: {  	_ =	swait.ge [sflag:s19], $0x7D0  }
0x3d: {  	[sflag:s19] =	ssyncset.done $0x0  }
0x3e: {  	s25 =	simm.s32 $0x0;
	[sflag:s19] =	ssyncadd.s32 $0xFFFFF830  }
0x3f: {  	[tilespmem:s25], [sflag:$0x1] =	stream.linear.gather [hbm4b:s7+s25], $0x7D0, $0x38;
	[tilespmem:$0x6000] =	vst v63  }
0x40: {  	s26 =	simm.s32 $0x0;
	s25 =	simm.s32 $0x40  }
.LBB2_10:
0x41: {  	p0 =	sne.s32 s25, $0x1F00;
	v2 =	vld [tilespmem:s26+$0x800];
	_ =	sdelay $0x3  }
.Ltmp4:
0x42: {  	(pc) =	sbr.rel @p0 .LBB2_10-.Ltmp4, $2  }
0x43: {  	_ =	sdelay $0x2  }
0x44: {  	s26 =	sshra.s32 s25, $0x2;
	s25 =	sadd.s32 $0x40, s25;
	[tilespmem:v2+s18+$0x0] =	vst.idx.add.f32.msk $0xffff, v1  }
0x45: {  	v2 =	vld [tilespmem:s26+$0x800];
	_ =	sdelay $0x7  }
0x46: {  	[tilespmem:v2+s18+$0x0] =	vst.idx.add.f32.msk $0xffff, v1  }
0x47: {  	_ =	swait.ge [sflag:s16], $0x7D0  }
0x48: {  	[sflag:s16] =	ssyncset.done $0x0  }
0x49: {  	s25 =	simm.s32 $0x0;
	[sflag:s16] =	ssyncadd.s32 $0xFFFFF830  }
0x4a: {  	[tilespmem:s17], [sflag:$0x2] =	stream.linear.gather [hbm4b:s8+s25], $0x7D0, $0x38;
	[tilespmem:$0x6000] =	vst v63  }
0x4b: {  	s26 =	simm.s32 $0x0;
	s25 =	simm.s32 $0x40  }
.LBB2_12:
0x4c: {  	p0 =	sne.s32 s25, $0x1F00;
	v2 =	vld [tilespmem:s26+$0x0];
	_ =	sdelay $0x3  }
.Ltmp5:
0x4d: {  	(pc) =	sbr.rel @p0 .LBB2_12-.Ltmp5, $2  }
0x4e: {  	_ =	sdelay $0x2  }
0x4f: {  	s26 =	sshra.s32 s25, $0x2;
	s25 =	sadd.s32 $0x40, s25;
	[tilespmem:v2+s18+$0x0] =	vst.idx.add.f32.msk $0xffff, v1  }
0x50: {  	v2 =	vld [tilespmem:s26+$0x0];
	_ =	sdelay $0x7  }
0x51: {  	[tilespmem:v2+s18+$0x0] =	vst.idx.add.f32.msk $0xffff, v1  }
0x52: {  	_ =	swait.ge [sflag:s19], $0x7D0  }
0x53: {  	[sflag:s19] =	ssyncset.done $0x0  }
0x54: {  	s25 =	simm.s32 $0x0;
	[sflag:s19] =	ssyncadd.s32 $0xFFFFF830  }
0x55: {  	[tilespmem:s25], [sflag:$0x1] =	stream.linear.gather [hbm4b:s9+s25], $0x7D0, $0x38;
	[tilespmem:$0x6000] =	vst v63  }
0x56: {  	s26 =	simm.s32 $0x0;
	s25 =	simm.s32 $0x40  }
.LBB2_14:
0x57: {  	p0 =	sne.s32 s25, $0x1F00;
	v2 =	vld [tilespmem:s26+$0x800];
	_ =	sdelay $0x3  }
.Ltmp6:
0x58: {  	(pc) =	sbr.rel @p0 .LBB2_14-.Ltmp6, $2  }
0x59: {  	_ =	sdelay $0x2  }
0x5a: {  	s26 =	sshra.s32 s25, $0x2;
	s25 =	sadd.s32 $0x40, s25;
	[tilespmem:v2+s20+$0x0] =	vst.idx.add.f32.msk $0xffff, v1  }
0x5b: {  	v2 =	vld [tilespmem:s26+$0x800];
	_ =	sdelay $0x7  }
0x5c: {  	[tilespmem:v2+s20+$0x0] =	vst.idx.add.f32.msk $0xffff, v1  }
0x5d: {  	_ =	swait.ge [sflag:s16], $0x7D0  }
0x5e: {  	[sflag:s16] =	ssyncset.done $0x0  }
0x5f: {  	s25 =	simm.s32 $0x0;
	[sflag:s16] =	ssyncadd.s32 $0xFFFFF830  }
0x60: {  	[tilespmem:s17], [sflag:$0x2] =	stream.linear.gather [hbm4b:s10+s25], $0x7D0, $0x38;
	[tilespmem:$0x6000] =	vst v63  }
0x61: {  	s26 =	simm.s32 $0x0;
	s25 =	simm.s32 $0x40  }
.LBB2_16:
0x62: {  	p0 =	sne.s32 s25, $0x1F00;
	v2 =	vld [tilespmem:s26+$0x0];
	_ =	sdelay $0x3  }
.Ltmp7:
0x63: {  	(pc) =	sbr.rel @p0 .LBB2_16-.Ltmp7, $2  }
0x64: {  	_ =	sdelay $0x2  }
0x65: {  	s26 =	sshra.s32 s25, $0x2;
	s25 =	sadd.s32 $0x40, s25;
	[tilespmem:v2+s20+$0x0] =	vst.idx.add.f32.msk $0xffff, v1  }
0x66: {  	v2 =	vld [tilespmem:s26+$0x0];
	_ =	sdelay $0x7  }
0x67: {  	[tilespmem:v2+s20+$0x0] =	vst.idx.add.f32.msk $0xffff, v1  }
0x68: {  	_ =	swait.ge [sflag:s19], $0x7D0  }
0x69: {  	[sflag:s19] =	ssyncset.done $0x0  }
0x6a: {  	s25 =	simm.s32 $0x0;
	[sflag:s19] =	ssyncadd.s32 $0xFFFFF830  }
0x6b: {  	[tilespmem:s25], [sflag:$0x1] =	stream.linear.gather [hbm4b:s11+s25], $0x7D0, $0x38;
	[tilespmem:$0x6000] =	vst v63  }
0x6c: {  	s26 =	simm.s32 $0x0;
	s25 =	simm.s32 $0x40  }
.LBB2_18:
0x6d: {  	p0 =	sne.s32 s25, $0x1F00;
	v2 =	vld [tilespmem:s26+$0x800];
	_ =	sdelay $0x3  }
.Ltmp8:
0x6e: {  	(pc) =	sbr.rel @p0 .LBB2_18-.Ltmp8, $2  }
0x6f: {  	_ =	sdelay $0x2  }
0x70: {  	s26 =	sshra.s32 s25, $0x2;
	s25 =	sadd.s32 $0x40, s25;
	[tilespmem:v2+s20+$0x0] =	vst.idx.add.f32.msk $0xffff, v1  }
0x71: {  	v2 =	vld [tilespmem:s26+$0x800];
	_ =	sdelay $0x7  }
0x72: {  	[tilespmem:v2+s20+$0x0] =	vst.idx.add.f32.msk $0xffff, v1  }
0x73: {  	_ =	swait.ge [sflag:s16], $0x7D0  }
0x74: {  	[sflag:s16] =	ssyncset.done $0x0  }
0x75: {  	s25 =	simm.s32 $0x0;
	[sflag:s16] =	ssyncadd.s32 $0xFFFFF830  }
0x76: {  	[tilespmem:s17], [sflag:$0x2] =	stream.linear.gather [hbm4b:s12+s25], $0x7D0, $0x38;
	[tilespmem:$0x6000] =	vst v63  }
0x77: {  	s26 =	simm.s32 $0x0;
	s25 =	simm.s32 $0x40  }
.LBB2_20:
0x78: {  	p0 =	sne.s32 s25, $0x1F00;
	v2 =	vld [tilespmem:s26+$0x0];
	_ =	sdelay $0x3  }
.Ltmp9:
0x79: {  	(pc) =	sbr.rel @p0 .LBB2_20-.Ltmp9, $2  }
0x7a: {  	_ =	sdelay $0x2  }
0x7b: {  	s26 =	sshra.s32 s25, $0x2;
	s25 =	sadd.s32 $0x40, s25;
	[tilespmem:v2+s20+$0x0] =	vst.idx.add.f32.msk $0xffff, v1  }
0x7c: {  	v2 =	vld [tilespmem:s26+$0x0];
	_ =	sdelay $0x7  }
0x7d: {  	[tilespmem:v2+s20+$0x0] =	vst.idx.add.f32.msk $0xffff, v1  }
0x7e: {  	_ =	swait.ge [sflag:s19], $0x7D0  }
0x7f: {  	[sflag:s19] =	ssyncset.done $0x0  }
0x80: {  	s26 =	simm.s32 $0x0;
	s25 =	simm.s32 $0x40;
	[sflag:s19] =	ssyncadd.s32 $0xFFFFF830  }
.LBB2_22:
0x81: {  	p0 =	sne.s32 s25, $0x1F00;
	v2 =	vld [tilespmem:s26+$0x800];
	_ =	sdelay $0x3  }
.Ltmp10:
0x82: {  	(pc) =	sbr.rel @p0 .LBB2_22-.Ltmp10, $2  }
0x83: {  	_ =	sdelay $0x2  }
0x84: {  	s26 =	sshra.s32 s25, $0x2;
	s25 =	sadd.s32 $0x40, s25;
	[tilespmem:v2+s20+$0x0] =	vst.idx.add.f32.msk $0xffff, v1  }
0x85: {  	v2 =	vld [tilespmem:s26+$0x800];
	_ =	sdelay $0x7  }
0x86: {  	[tilespmem:v2+s20+$0x0] =	vst.idx.add.f32.msk $0xffff, v1  }
0x87: {  	[hbm4b:s13+s21] =	stream.strided.scatter [tilespmem:s18], [sflag:$0x3], $0x2800, s22, s21, $0x38;
	[tilespmem:$0x6000] =	vst v63  }
0x88: {  	s24 =	sadd.s32 $0x1, s24;
	_ =	swait.ge [sflag:s23], $0x2800  }
0x89: {  	p0 =	sne.s32 s24, s15;
	[sflag:s23] =	ssyncset.done $0x0  }
.Ltmp11:
0x8a: {  	[sflag:s23] =	ssyncadd.s32 $0xFFFFD800;
	(pc) =	sbr.rel @p0 .LBB2_1-.Ltmp11, $4  }
0x8b: {  	[hbm4b:s14+s21] =	stream.strided.scatter [tilespmem:s20], [sflag:$0x3], $0x2800, s22, s21, $0x38;
	[tilespmem:$0x6000] =	vst v63  }
0x8c: {  	_ =	swait.ge [sflag:s23], $0x2800  }
0x8d: {  	[sflag:s23] =	ssyncset.done $0x0  }
0x8e: {  	[sflag:s23] =	ssyncadd.s32 $0xFFFFD800  }
0x8f: {  	_ =	sfence.sel $0x180000  }
0x90: {  	[bflag:$0x0] =	sbarrier.arrive $0xFFFF  }
0x91: {  	p0 =	sne.s32 s1, $0x0;
	_ =	strace $0x90000047  }
0x92: {  	s0 =	sadd.s32 @!p0 $0x100000, s0;
	[bflag:$0x2] =	sbarrier.arrive $0xFFFF  }
0x93: {  	[sflag:s0] =	ssyncadd.tile.s32 @!p0 $0x1;
	_ =	shalt  }
.Lfunc_end2:
_tile_overlayer_lowered:
.L_overlay_start_2:
0x94: {  	(tag) =	ssettag $0x2  }
0x95: {  	s0 =	rddreg [dreg:$0x0];
	s2 =	stileid.u32  }
0x96: {  	s1 =	rddreg [dreg:$0x1];
	p0 =	sne.s32 s2, $0x0  }
0x97: {  	s3 =	rddreg [dreg:$0x2];
	[bflag:$0x3] =	sbarrier.arrive $0xFFFF;
	s2 =	simm.s32 @!p0 $0x1C03  }
0x98: {  	[timem:s3], [sflag:s2] =	dma.local @!p0 [hbm:s0], s1  }
0x99: {  	s0 =	simm.s32 @!p0 $0x3  }
0x9a: {  	_ =	swait.ge @!p0 [sflag:s0], s1  }
0x9b: {  	s1 =	ssub.s32 @!p0 $0x0, s1;
	[sflag:s0] =	ssyncset.done @!p0 $0x0  }
0x9c: {  	[sflag:s0] =	ssyncadd.s32 @!p0 s1  }
0x9d: {  	[bflag:$0x3] =	sbarrier.arrive $0xFFFF  }
0x9e: {  	_ =	shalt  }

</sc_bundles>
